<compile_context>
chip_gen: v7x
topology: tpu7x:2x2x1
jax: 0.10.2.dev20260603
libtpu: 0.0.44.dev20260713+nightly
codegen_flags: <defaults>
</compile_context>

<pallas_src>
import functools

import jax
import jax.numpy as jnp
from jax import lax
from jax.experimental import pallas as pl
from jax.experimental.pallas import tpu as pltpu
from jax.experimental.pallas import tpu_sc as plsc

_NC = 2
_NS = 16
_NW = _NC * _NS


_NBUF = 4
_DEPTH = 3


_TILESPMEM_WORDS = 126976


def _pick_chunk(b_per_w: int, dim: int, fields: int) -> int:
    budget = (_TILESPMEM_WORDS - b_per_w) // (_NBUF * dim)
    for c in range(min(budget, b_per_w), 0, -1):
        if b_per_w % c == 0 and c % fields == 0:
            return c
    return b_per_w


@functools.lru_cache(maxsize=None)
def _make_gather(num_rows: int, dim: int, batch: int, fields: int):
    b_total = batch * fields
    assert b_total % _NW == 0
    b_per_w = b_total // _NW
    assert b_per_w % fields == 0
    chunk = _pick_chunk(b_per_w, dim, fields)
    n_chunks = b_per_w // chunk
    rows_per_chunk = chunk // fields

    mesh = plsc.VectorSubcoreMesh(core_axis_name="c", subcore_axis_name="s")

    @functools.partial(
        pl.kernel,
        mesh=mesh,
        out_type=jax.ShapeDtypeStruct((b_total, dim), jnp.float32),
        compiler_params=pltpu.CompilerParams(use_tc_tiling_on_sc=False),
        scratch_types=(
            [pltpu.VMEM((n_chunks, chunk), jnp.int32)]
            + [pltpu.VMEM((chunk, dim), jnp.float32) for _ in range(_NBUF)]
            + [pltpu.SemaphoreType.DMA for _ in range(2 * _NBUF)]
        ),
    )
    def gather_kernel(idx_hbm, table_hbm, out_hbm, idx_v, *bufs_and_sems):
        bufs = bufs_and_sems[:_NBUF]
        gsems = bufs_and_sems[_NBUF:2 * _NBUF]
        osems = bufs_and_sems[2 * _NBUF:]
        wid = lax.axis_index("s") * _NC + lax.axis_index("c")
        base = wid * b_per_w
        pltpu.sync_copy(idx_hbm.at[wid], idx_v)

        def start_gather(j, b):
            return pltpu.async_copy(table_hbm.at[idx_v.at[j]], bufs[b], gsems[b])

        def start_put(j, b):
            return pltpu.async_copy(
                bufs[b], out_hbm.at[pl.ds(base + j * chunk, chunk)], osems[b])

        gh = [None] * _NBUF
        oh = [None] * _NBUF
        opend = [False] * _NBUF
        depth = min(_DEPTH, n_chunks)
        for j in range(depth):
            gh[j % _NBUF] = start_gather(j, j % _NBUF)
        for j in range(n_chunks):
            b = j % _NBUF
            nj = j + depth
            if nj < n_chunks:
                nb = nj % _NBUF
                if opend[nb]:
                    oh[nb].wait()
                    opend[nb] = False
                gh[nb] = start_gather(nj, nb)
            gh[b].wait()
            oh[b] = start_put(j, b)
            opend[b] = True
        for b in range(_NBUF):
            if opend[b]:
                oh[b].wait()

    return gather_kernel, b_per_w, n_chunks, chunk


def kernel(x, table):
    batch, fields = x.shape
    num_rows, dim = table.shape
    gather_kernel, _, n_chunks, chunk = _make_gather(num_rows, dim, batch, fields)
    idx = x.reshape(_NW, n_chunks, chunk).astype(jnp.int32)
    out = gather_kernel(idx, table)
    return out.reshape(batch, fields, dim)

# --- scband reference (transcript-rebuilt; emitter-appended) ---
"""Pipeline reference for scband-embedding-categorical-24807731102390 (READ-ONLY COPY).

The authoritative reference and input builder live on the scoring server;
editing this copy changes nothing except your own understanding.
"""

import jax, jax.numpy as jnp
import numpy as np

NUM_TOTAL_TOKENS = 1000000
DIM = 32
BATCH = 16384
FIELDS = 26

def setup_inputs(seed: int = 0) -> dict:
    key = jax.random.key(seed)
    k1, k2 = jax.random.split(key)
    x = jax.random.randint(k1, (BATCH, FIELDS), 0, NUM_TOTAL_TOKENS, dtype=jnp.int64 if jax.config.read('jax_enable_x64') else jnp.int32)
    # nn.Embedding default init: N(0, 1)
    table = jax.random.normal(k2, (NUM_TOTAL_TOKENS, DIM), dtype=jnp.float32)
    return {"x": x, "table": table}

def reference(x, table):
    # Faithful translation of EmbeddingCategorical.forward: embedding lookup
    return jnp.take(table, x, axis=0)

if __name__ == "__main__":
    import jax
    _d = setup_inputs()
    print(jax.jit(kernel)(*tuple(_d.values())))

</pallas_src>

<mosaic_0001>
#map = affine_map<(d0, d1) -> (0, 0, 0)>
#map1 = affine_map<(d0, d1) -> (0, 0)>
module attributes {stable_mosaic.version = 14 : i64} {
  func.func @gather_kernel(%arg0: i32, %arg1: i32, %arg2: memref<32x16x832xi32, #tpu.memory_space<hbm>>, %arg3: memref<1000000x32xf32, #tpu.memory_space<hbm>>, %arg4: memref<425984x32xf32, #tpu.memory_space<hbm>>, %arg5: memref<16x832xi32, #tpu.memory_space<vmem>>, %arg6: memref<832x32xf32, #tpu.memory_space<vmem>>, %arg7: memref<832x32xf32, #tpu.memory_space<vmem>>, %arg8: memref<832x32xf32, #tpu.memory_space<vmem>>, %arg9: memref<832x32xf32, #tpu.memory_space<vmem>>, %arg10: memref<!tpu.dma_semaphore, #tpu.memory_space<semaphore_mem>>, %arg11: memref<!tpu.dma_semaphore, #tpu.memory_space<semaphore_mem>>, %arg12: memref<!tpu.dma_semaphore, #tpu.memory_space<semaphore_mem>>, %arg13: memref<!tpu.dma_semaphore, #tpu.memory_space<semaphore_mem>>, %arg14: memref<!tpu.dma_semaphore, #tpu.memory_space<semaphore_mem>>, %arg15: memref<!tpu.dma_semaphore, #tpu.memory_space<semaphore_mem>>, %arg16: memref<!tpu.dma_semaphore, #tpu.memory_space<semaphore_mem>>, %arg17: memref<!tpu.dma_semaphore, #tpu.memory_space<semaphore_mem>>) attributes {dimension_semantics = [#tpu.dimension_semantics<core_parallel>, #tpu.dimension_semantics<subcore_parallel>], iteration_bounds = array<i64: 2, 16>, scalar_prefetch = 0 : i64, scratch_operands = 13 : i64, tpu.core_type = #tpu.core_type<sc_vector_subcore>, window_params = [{transform_indices = #map}, {transform_indices = #map1}, {transform_indices = #map1}]} {
    %mul3A = arith.constant 2 : i32
    %mul3A_0 = arith.muli %arg1, %mul3A : i32
    %add3A = arith.addi %mul3A_0, %arg0 : i32
    %mul3A_1 = arith.constant 13312 : i32
    %mul3A_2 = arith.muli %add3A, %mul3A_1 : i32
    "tpu.region"() ({
      %run_scoped3A = tpu.sem_alloc : memref<!tpu.dma_semaphore, #tpu.memory_space<semaphore_mem>>
      %dma_start3A_385 = arith.constant 0 : i32
      %dma_start3A_386 = arith.constant 0 : i32
      %dma_start3A_387 = tpu.memref_slice %arg2[%add3A, %dma_start3A_385, %dma_start3A_386] : memref<32x16x832xi32, #tpu.memory_space<hbm>> -> memref<1x16x832xi32, #tpu.memory_space<hbm>>
      %dma_start3A_388 = tpu.memref_squeeze %dma_start3A_387 : memref<1x16x832xi32, #tpu.memory_space<hbm>> -> memref<16x832xi32, #tpu.memory_space<hbm>>
      %dma_start3A_389 = arith.constant 0 : i32
      %dma_start3A_390 = arith.constant 0 : i32
      %dma_start3A_391 = tpu.memref_slice %arg2[%add3A, %dma_start3A_389, %dma_start3A_390] : memref<32x16x832xi32, #tpu.memory_space<hbm>> -> memref<1x16x832xi32, #tpu.memory_space<hbm>>
      %dma_start3A_392 = tpu.memref_squeeze %dma_start3A_391 : memref<1x16x832xi32, #tpu.memory_space<hbm>> -> memref<16x832xi32, #tpu.memory_space<hbm>>
      tpu.enqueue_dma source(%dma_start3A_392 : memref<16x832xi32, #tpu.memory_space<hbm>>) target(%arg5 : memref<16x832xi32, #tpu.memory_space<vmem>>) target_semaphore(%run_scoped3A : memref<!tpu.dma_semaphore, #tpu.memory_space<semaphore_mem>>)
      %dma_wait3A_393 = arith.constant 0 : i32
      %dma_wait3A_394 = arith.constant 0 : i32
      %dma_wait3A_395 = tpu.memref_slice %arg2[%add3A, %dma_wait3A_393, %dma_wait3A_394] : memref<32x16x832xi32, #tpu.memory_space<hbm>> -> memref<1x16x832xi32, #tpu.memory_space<hbm>>
      %dma_wait3A_396 = tpu.memref_squeeze %dma_wait3A_395 : memref<1x16x832xi32, #tpu.memory_space<hbm>> -> memref<16x832xi32, #tpu.memory_space<hbm>>
      %dma_wait3A_397 = arith.constant 0 : i32
      %dma_wait3A_398 = arith.constant 0 : i32
      %dma_wait3A_399 = tpu.memref_slice %arg2[%add3A, %dma_wait3A_397, %dma_wait3A_398] : memref<32x16x832xi32, #tpu.memory_space<hbm>> -> memref<1x16x832xi32, #tpu.memory_space<hbm>>
      %dma_wait3A_400 = tpu.memref_squeeze %dma_wait3A_399 : memref<1x16x832xi32, #tpu.memory_space<hbm>> -> memref<16x832xi32, #tpu.memory_space<hbm>>
      tpu.wait_dma2 semaphore(%run_scoped3A : memref<!tpu.dma_semaphore, #tpu.memory_space<semaphore_mem>>) src(%dma_wait3A_400 : memref<16x832xi32, #tpu.memory_space<hbm>>) dst(%arg5 : memref<16x832xi32, #tpu.memory_space<vmem>>)
      tpu.yield
    }) : () -> ()
    %dma_start3A = arith.constant 0 : i32
    %dma_start3A_3 = arith.constant 0 : i32
    %dma_start3A_4 = tpu.memref_slice %arg5[%dma_start3A, %dma_start3A_3] : memref<16x832xi32, #tpu.memory_space<vmem>> -> memref<1x832xi32, #tpu.memory_space<vmem>>
    %dma_start3A_5 = tpu.memref_squeeze %dma_start3A_4 : memref<1x832xi32, #tpu.memory_space<vmem>> -> memref<832xi32, #tpu.memory_space<vmem>>
    %dma_start3A_6 = arith.constant 0 : i32
    %dma_start3A_7 = arith.constant 0 : i32
    %dma_start3A_8 = tpu.memref_slice %arg3[%dma_start3A_6, %dma_start3A_7] : memref<1000000x32xf32, #tpu.memory_space<hbm>> -> memref<1000000x32xf32, #tpu.memory_space<hbm>>
    tpu.enqueue_indirect_dma source(%dma_start3A_8 : memref<1000000x32xf32, #tpu.memory_space<hbm>>) target(%arg6 : memref<832x32xf32, #tpu.memory_space<vmem>>) offsets(%dma_start3A_5 : memref<832xi32, #tpu.memory_space<vmem>>) semaphore(%arg10 : memref<!tpu.dma_semaphore, #tpu.memory_space<semaphore_mem>>)
    %dma_start3A_9 = arith.constant 1 : i32
    %dma_start3A_10 = arith.constant 0 : i32
    %dma_start3A_11 = tpu.memref_slice %arg5[%dma_start3A_9, %dma_start3A_10] : memref<16x832xi32, #tpu.memory_space<vmem>> -> memref<1x832xi32, #tpu.memory_space<vmem>>
    %dma_start3A_12 = tpu.memref_squeeze %dma_start3A_11 : memref<1x832xi32, #tpu.memory_space<vmem>> -> memref<832xi32, #tpu.memory_space<vmem>>
    %dma_start3A_13 = arith.constant 0 : i32
    %dma_start3A_14 = arith.constant 0 : i32
    %dma_start3A_15 = tpu.memref_slice %arg3[%dma_start3A_13, %dma_start3A_14] : memref<1000000x32xf32, #tpu.memory_space<hbm>> -> memref<1000000x32xf32, #tpu.memory_space<hbm>>
    tpu.enqueue_indirect_dma source(%dma_start3A_15 : memref<1000000x32xf32, #tpu.memory_space<hbm>>) target(%arg7 : memref<832x32xf32, #tpu.memory_space<vmem>>) offsets(%dma_start3A_12 : memref<832xi32, #tpu.memory_space<vmem>>) semaphore(%arg11 : memref<!tpu.dma_semaphore, #tpu.memory_space<semaphore_mem>>)
    %dma_start3A_16 = arith.constant 2 : i32
    %dma_start3A_17 = arith.constant 0 : i32
    %dma_start3A_18 = tpu.memref_slice %arg5[%dma_start3A_16, %dma_start3A_17] : memref<16x832xi32, #tpu.memory_space<vmem>> -> memref<1x832xi32, #tpu.memory_space<vmem>>
    %dma_start3A_19 = tpu.memref_squeeze %dma_start3A_18 : memref<1x832xi32, #tpu.memory_space<vmem>> -> memref<832xi32, #tpu.memory_space<vmem>>
    %dma_start3A_20 = arith.constant 0 : i32
    %dma_start3A_21 = arith.constant 0 : i32
    %dma_start3A_22 = tpu.memref_slice %arg3[%dma_start3A_20, %dma_start3A_21] : memref<1000000x32xf32, #tpu.memory_space<hbm>> -> memref<1000000x32xf32, #tpu.memory_space<hbm>>
    tpu.enqueue_indirect_dma source(%dma_start3A_22 : memref<1000000x32xf32, #tpu.memory_space<hbm>>) target(%arg8 : memref<832x32xf32, #tpu.memory_space<vmem>>) offsets(%dma_start3A_19 : memref<832xi32, #tpu.memory_space<vmem>>) semaphore(%arg12 : memref<!tpu.dma_semaphore, #tpu.memory_space<semaphore_mem>>)
    %dma_start3A_23 = arith.constant 3 : i32
    %dma_start3A_24 = arith.constant 0 : i32
    %dma_start3A_25 = tpu.memref_slice %arg5[%dma_start3A_23, %dma_start3A_24] : memref<16x832xi32, #tpu.memory_space<vmem>> -> memref<1x832xi32, #tpu.memory_space<vmem>>
    %dma_start3A_26 = tpu.memref_squeeze %dma_start3A_25 : memref<1x832xi32, #tpu.memory_space<vmem>> -> memref<832xi32, #tpu.memory_space<vmem>>
    %dma_start3A_27 = arith.constant 0 : i32
    %dma_start3A_28 = arith.constant 0 : i32
    %dma_start3A_29 = tpu.memref_slice %arg3[%dma_start3A_27, %dma_start3A_28] : memref<1000000x32xf32, #tpu.memory_space<hbm>> -> memref<1000000x32xf32, #tpu.memory_space<hbm>>
    tpu.enqueue_indirect_dma source(%dma_start3A_29 : memref<1000000x32xf32, #tpu.memory_space<hbm>>) target(%arg9 : memref<832x32xf32, #tpu.memory_space<vmem>>) offsets(%dma_start3A_26 : memref<832xi32, #tpu.memory_space<vmem>>) semaphore(%arg13 : memref<!tpu.dma_semaphore, #tpu.memory_space<semaphore_mem>>)
    %dma_wait3A = arith.constant 0 : i32
    %dma_wait3A_30 = arith.constant 0 : i32
    %dma_wait3A_31 = tpu.memref_slice %arg5[%dma_wait3A, %dma_wait3A_30] : memref<16x832xi32, #tpu.memory_space<vmem>> -> memref<1x832xi32, #tpu.memory_space<vmem>>
    %dma_wait3A_32 = tpu.memref_squeeze %dma_wait3A_31 : memref<1x832xi32, #tpu.memory_space<vmem>> -> memref<832xi32, #tpu.memory_space<vmem>>
    %dma_wait3A_33 = arith.constant 0 : i32
    %dma_wait3A_34 = arith.constant 0 : i32
    %dma_wait3A_35 = tpu.memref_slice %arg3[%dma_wait3A_33, %dma_wait3A_34] : memref<1000000x32xf32, #tpu.memory_space<hbm>> -> memref<1000000x32xf32, #tpu.memory_space<hbm>>
    tpu.wait_indirect_dma semaphore(%arg10 : memref<!tpu.dma_semaphore, #tpu.memory_space<semaphore_mem>>) src(%dma_wait3A_35 : memref<1000000x32xf32, #tpu.memory_space<hbm>>) dst(%arg6 : memref<832x32xf32, #tpu.memory_space<vmem>>)
    %add3A_36 = arith.constant 0 : i32
    %add3A_37 = arith.addi %mul3A_2, %add3A_36 : i32
    %dma_start3A_38 = arith.constant 0 : i32
    %dma_start3A_39 = tpu.memref_slice %arg4[%add3A_37, %dma_start3A_38] : memref<425984x32xf32, #tpu.memory_space<hbm>> -> memref<832x32xf32, #tpu.memory_space<hbm>>
    %dma_start3A_40 = arith.constant 0 : i32
    %dma_start3A_41 = tpu.memref_slice %arg4[%add3A_37, %dma_start3A_40] : memref<425984x32xf32, #tpu.memory_space<hbm>> -> memref<832x32xf32, #tpu.memory_space<hbm>>
    tpu.enqueue_dma source(%arg6 : memref<832x32xf32, #tpu.memory_space<vmem>>) target(%dma_start3A_41 : memref<832x32xf32, #tpu.memory_space<hbm>>) target_semaphore(%arg14 : memref<!tpu.dma_semaphore, #tpu.memory_space<semaphore_mem>>)
    %dma_wait3A_42 = arith.constant 0 : i32
    %dma_wait3A_43 = tpu.memref_slice %arg4[%add3A_37, %dma_wait3A_42] : memref<425984x32xf32, #tpu.memory_space<hbm>> -> memref<832x32xf32, #tpu.memory_space<hbm>>
    %dma_wait3A_44 = arith.constant 0 : i32
    %dma_wait3A_45 = tpu.memref_slice %arg4[%add3A_37, %dma_wait3A_44] : memref<425984x32xf32, #tpu.memory_space<hbm>> -> memref<832x32xf32, #tpu.memory_space<hbm>>
    tpu.wait_dma2 semaphore(%arg14 : memref<!tpu.dma_semaphore, #tpu.memory_space<semaphore_mem>>) src(%arg6 : memref<832x32xf32, #tpu.memory_space<vmem>>) dst(%dma_wait3A_45 : memref<832x32xf32, #tpu.memory_space<hbm>>)
    %dma_start3A_46 = arith.constant 4 : i32
    %dma_start3A_47 = arith.constant 0 : i32
    %dma_start3A_48 = tpu.memref_slice %arg5[%dma_start3A_46, %dma_start3A_47] : memref<16x832xi32, #tpu.memory_space<vmem>> -> memref<1x832xi32, #tpu.memory_space<vmem>>
    %dma_start3A_49 = tpu.memref_squeeze %dma_start3A_48 : memref<1x832xi32, #tpu.memory_space<vmem>> -> memref<832xi32, #tpu.memory_space<vmem>>
    %dma_start3A_50 = arith.constant 0 : i32
    %dma_start3A_51 = arith.constant 0 : i32
    %dma_start3A_52 = tpu.memref_slice %arg3[%dma_start3A_50, %dma_start3A_51] : memref<1000000x32xf32, #tpu.memory_space<hbm>> -> memref<1000000x32xf32, #tpu.memory_space<hbm>>
    tpu.enqueue_indirect_dma source(%dma_start3A_52 : memref<1000000x32xf32, #tpu.memory_space<hbm>>) target(%arg6 : memref<832x32xf32, #tpu.memory_space<vmem>>) offsets(%dma_start3A_49 : memref<832xi32, #tpu.memory_space<vmem>>) semaphore(%arg10 : memref<!tpu.dma_semaphore, #tpu.memory_space<semaphore_mem>>)
    %dma_wait3A_53 = arith.constant 1 : i32
    %dma_wait3A_54 = arith.constant 0 : i32
    %dma_wait3A_55 = tpu.memref_slice %arg5[%dma_wait3A_53, %dma_wait3A_54] : memref<16x832xi32, #tpu.memory_space<vmem>> -> memref<1x832xi32, #tpu.memory_space<vmem>>
    %dma_wait3A_56 = tpu.memref_squeeze %dma_wait3A_55 : memref<1x832xi32, #tpu.memory_space<vmem>> -> memref<832xi32, #tpu.memory_space<vmem>>
    %dma_wait3A_57 = arith.constant 0 : i32
    %dma_wait3A_58 = arith.constant 0 : i32
    %dma_wait3A_59 = tpu.memref_slice %arg3[%dma_wait3A_57, %dma_wait3A_58] : memref<1000000x32xf32, #tpu.memory_space<hbm>> -> memref<1000000x32xf32, #tpu.memory_space<hbm>>
    tpu.wait_indirect_dma semaphore(%arg11 : memref<!tpu.dma_semaphore, #tpu.memory_space<semaphore_mem>>) src(%dma_wait3A_59 : memref<1000000x32xf32, #tpu.memory_space<hbm>>) dst(%arg7 : memref<832x32xf32, #tpu.memory_space<vmem>>)
    %add3A_60 = arith.constant 832 : i32
    %add3A_61 = arith.addi %mul3A_2, %add3A_60 : i32
    %dma_start3A_62 = arith.constant 0 : i32
    %dma_start3A_63 = tpu.memref_slice %arg4[%add3A_61, %dma_start3A_62] : memref<425984x32xf32, #tpu.memory_space<hbm>> -> memref<832x32xf32, #tpu.memory_space<hbm>>
    %dma_start3A_64 = arith.constant 0 : i32
    %dma_start3A_65 = tpu.memref_slice %arg4[%add3A_61, %dma_start3A_64] : memref<425984x32xf32, #tpu.memory_space<hbm>> -> memref<832x32xf32, #tpu.memory_space<hbm>>
    tpu.enqueue_dma source(%arg7 : memref<832x32xf32, #tpu.memory_space<vmem>>) target(%dma_start3A_65 : memref<832x32xf32, #tpu.memory_space<hbm>>) target_semaphore(%arg15 : memref<!tpu.dma_semaphore, #tpu.memory_space<semaphore_mem>>)
    %dma_wait3A_66 = arith.constant 0 : i32
    %dma_wait3A_67 = tpu.memref_slice %arg4[%add3A_61, %dma_wait3A_66] : memref<425984x32xf32, #tpu.memory_space<hbm>> -> memref<832x32xf32, #tpu.memory_space<hbm>>
    %dma_wait3A_68 = arith.constant 0 : i32
    %dma_wait3A_69 = tpu.memref_slice %arg4[%add3A_61, %dma_wait3A_68] : memref<425984x32xf32, #tpu.memory_space<hbm>> -> memref<832x32xf32, #tpu.memory_space<hbm>>
    tpu.wait_dma2 semaphore(%arg15 : memref<!tpu.dma_semaphore, #tpu.memory_space<semaphore_mem>>) src(%arg7 : memref<832x32xf32, #tpu.memory_space<vmem>>) dst(%dma_wait3A_69 : memref<832x32xf32, #tpu.memory_space<hbm>>)
    %dma_start3A_70 = arith.constant 5 : i32
    %dma_start3A_71 = arith.constant 0 : i32
    %dma_start3A_72 = tpu.memref_slice %arg5[%dma_start3A_70, %dma_start3A_71] : memref<16x832xi32, #tpu.memory_space<vmem>> -> memref<1x832xi32, #tpu.memory_space<vmem>>
    %dma_start3A_73 = tpu.memref_squeeze %dma_start3A_72 : memref<1x832xi32, #tpu.memory_space<vmem>> -> memref<832xi32, #tpu.memory_space<vmem>>
    %dma_start3A_74 = arith.constant 0 : i32
    %dma_start3A_75 = arith.constant 0 : i32
    %dma_start3A_76 = tpu.memref_slice %arg3[%dma_start3A_74, %dma_start3A_75] : memref<1000000x32xf32, #tpu.memory_space<hbm>> -> memref<1000000x32xf32, #tpu.memory_space<hbm>>
    tpu.enqueue_indirect_dma source(%dma_start3A_76 : memref<1000000x32xf32, #tpu.memory_space<hbm>>) target(%arg7 : memref<832x32xf32, #tpu.memory_space<vmem>>) offsets(%dma_start3A_73 : memref<832xi32, #tpu.memory_space<vmem>>) semaphore(%arg11 : memref<!tpu.dma_semaphore, #tpu.memory_space<semaphore_mem>>)
    %dma_wait3A_77 = arith.constant 2 : i32
    %dma_wait3A_78 = arith.constant 0 : i32
    %dma_wait3A_79 = tpu.memref_slice %arg5[%dma_wait3A_77, %dma_wait3A_78] : memref<16x832xi32, #tpu.memory_space<vmem>> -> memref<1x832xi32, #tpu.memory_space<vmem>>
    %dma_wait3A_80 = tpu.memref_squeeze %dma_wait3A_79 : memref<1x832xi32, #tpu.memory_space<vmem>> -> memref<832xi32, #tpu.memory_space<vmem>>
    %dma_wait3A_81 = arith.constant 0 : i32
    %dma_wait3A_82 = arith.constant 0 : i32
    %dma_wait3A_83 = tpu.memref_slice %arg3[%dma_wait3A_81, %dma_wait3A_82] : memref<1000000x32xf32, #tpu.memory_space<hbm>> -> memref<1000000x32xf32, #tpu.memory_space<hbm>>
    tpu.wait_indirect_dma semaphore(%arg12 : memref<!tpu.dma_semaphore, #tpu.memory_space<semaphore_mem>>) src(%dma_wait3A_83 : memref<1000000x32xf32, #tpu.memory_space<hbm>>) dst(%arg8 : memref<832x32xf32, #tpu.memory_space<vmem>>)
    %add3A_84 = arith.constant 1664 : i32
    %add3A_85 = arith.addi %mul3A_2, %add3A_84 : i32
    %dma_start3A_86 = arith.constant 0 : i32
    %dma_start3A_87 = tpu.memref_slice %arg4[%add3A_85, %dma_start3A_86] : memref<425984x32xf32, #tpu.memory_space<hbm>> -> memref<832x32xf32, #tpu.memory_space<hbm>>
    %dma_start3A_88 = arith.constant 0 : i32
    %dma_start3A_89 = tpu.memref_slice %arg4[%add3A_85, %dma_start3A_88] : memref<425984x32xf32, #tpu.memory_space<hbm>> -> memref<832x32xf32, #tpu.memory_space<hbm>>
    tpu.enqueue_dma source(%arg8 : memref<832x32xf32, #tpu.memory_space<vmem>>) target(%dma_start3A_89 : memref<832x32xf32, #tpu.memory_space<hbm>>) target_semaphore(%arg16 : memref<!tpu.dma_semaphore, #tpu.memory_space<semaphore_mem>>)
    %dma_wait3A_90 = arith.constant 0 : i32
    %dma_wait3A_91 = tpu.memref_slice %arg4[%add3A_85, %dma_wait3A_90] : memref<425984x32xf32, #tpu.memory_space<hbm>> -> memref<832x32xf32, #tpu.memory_space<hbm>>
    %dma_wait3A_92 = arith.constant 0 : i32
    %dma_wait3A_93 = tpu.memref_slice %arg4[%add3A_85, %dma_wait3A_92] : memref<425984x32xf32, #tpu.memory_space<hbm>> -> memref<832x32xf32, #tpu.memory_space<hbm>>
    tpu.wait_dma2 semaphore(%arg16 : memref<!tpu.dma_semaphore, #tpu.memory_space<semaphore_mem>>) src(%arg8 : memref<832x32xf32, #tpu.memory_space<vmem>>) dst(%dma_wait3A_93 : memref<832x32xf32, #tpu.memory_space<hbm>>)
    %dma_start3A_94 = arith.constant 6 : i32
    %dma_start3A_95 = arith.constant 0 : i32
    %dma_start3A_96 = tpu.memref_slice %arg5[%dma_start3A_94, %dma_start3A_95] : memref<16x832xi32, #tpu.memory_space<vmem>> -> memref<1x832xi32, #tpu.memory_space<vmem>>
    %dma_start3A_97 = tpu.memref_squeeze %dma_start3A_96 : memref<1x832xi32, #tpu.memory_space<vmem>> -> memref<832xi32, #tpu.memory_space<vmem>>
    %dma_start3A_98 = arith.constant 0 : i32
    %dma_start3A_99 = arith.constant 0 : i32
    %dma_start3A_100 = tpu.memref_slice %arg3[%dma_start3A_98, %dma_start3A_99] : memref<1000000x32xf32, #tpu.memory_space<hbm>> -> memref<1000000x32xf32, #tpu.memory_space<hbm>>
    tpu.enqueue_indirect_dma source(%dma_start3A_100 : memref<1000000x32xf32, #tpu.memory_space<hbm>>) target(%arg8 : memref<832x32xf32, #tpu.memory_space<vmem>>) offsets(%dma_start3A_97 : memref<832xi32, #tpu.memory_space<vmem>>) semaphore(%arg12 : memref<!tpu.dma_semaphore, #tpu.memory_space<semaphore_mem>>)
    %dma_wait3A_101 = arith.constant 3 : i32
    %dma_wait3A_102 = arith.constant 0 : i32
    %dma_wait3A_103 = tpu.memref_slice %arg5[%dma_wait3A_101, %dma_wait3A_102] : memref<16x832xi32, #tpu.memory_space<vmem>> -> memref<1x832xi32, #tpu.memory_space<vmem>>
    %dma_wait3A_104 = tpu.memref_squeeze %dma_wait3A_103 : memref<1x832xi32, #tpu.memory_space<vmem>> -> memref<832xi32, #tpu.memory_space<vmem>>
    %dma_wait3A_105 = arith.constant 0 : i32
    %dma_wait3A_106 = arith.constant 0 : i32
    %dma_wait3A_107 = tpu.memref_slice %arg3[%dma_wait3A_105, %dma_wait3A_106] : memref<1000000x32xf32, #tpu.memory_space<hbm>> -> memref<1000000x32xf32, #tpu.memory_space<hbm>>
    tpu.wait_indirect_dma semaphore(%arg13 : memref<!tpu.dma_semaphore, #tpu.memory_space<semaphore_mem>>) src(%dma_wait3A_107 : memref<1000000x32xf32, #tpu.memory_space<hbm>>) dst(%arg9 : memref<832x32xf32, #tpu.memory_space<vmem>>)
    %add3A_108 = arith.constant 2496 : i32
    %add3A_109 = arith.addi %mul3A_2, %add3A_108 : i32
    %dma_start3A_110 = arith.constant 0 : i32
    %dma_start3A_111 = tpu.memref_slice %arg4[%add3A_109, %dma_start3A_110] : memref<425984x32xf32, #tpu.memory_space<hbm>> -> memref<832x32xf32, #tpu.memory_space<hbm>>
    %dma_start3A_112 = arith.constant 0 : i32
    %dma_start3A_113 = tpu.memref_slice %arg4[%add3A_109, %dma_start3A_112] : memref<425984x32xf32, #tpu.memory_space<hbm>> -> memref<832x32xf32, #tpu.memory_space<hbm>>
    tpu.enqueue_dma source(%arg9 : memref<832x32xf32, #tpu.memory_space<vmem>>) target(%dma_start3A_113 : memref<832x32xf32, #tpu.memory_space<hbm>>) target_semaphore(%arg17 : memref<!tpu.dma_semaphore, #tpu.memory_space<semaphore_mem>>)
    %dma_wait3A_114 = arith.constant 0 : i32
    %dma_wait3A_115 = tpu.memref_slice %arg4[%add3A_109, %dma_wait3A_114] : memref<425984x32xf32, #tpu.memory_space<hbm>> -> memref<832x32xf32, #tpu.memory_space<hbm>>
    %dma_wait3A_116 = arith.constant 0 : i32
    %dma_wait3A_117 = tpu.memref_slice %arg4[%add3A_109, %dma_wait3A_116] : memref<425984x32xf32, #tpu.memory_space<hbm>> -> memref<832x32xf32, #tpu.memory_space<hbm>>
    tpu.wait_dma2 semaphore(%arg17 : memref<!tpu.dma_semaphore, #tpu.memory_space<semaphore_mem>>) src(%arg9 : memref<832x32xf32, #tpu.memory_space<vmem>>) dst(%dma_wait3A_117 : memref<832x32xf32, #tpu.memory_space<hbm>>)
    %dma_start3A_118 = arith.constant 7 : i32
    %dma_start3A_119 = arith.constant 0 : i32
    %dma_start3A_120 = tpu.memref_slice %arg5[%dma_start3A_118, %dma_start3A_119] : memref<16x832xi32, #tpu.memory_space<vmem>> -> memref<1x832xi32, #tpu.memory_space<vmem>>
    %dma_start3A_121 = tpu.memref_squeeze %dma_start3A_120 : memref<1x832xi32, #tpu.memory_space<vmem>> -> memref<832xi32, #tpu.memory_space<vmem>>
    %dma_start3A_122 = arith.constant 0 : i32
    %dma_start3A_123 = arith.constant 0 : i32
    %dma_start3A_124 = tpu.memref_slice %arg3[%dma_start3A_122, %dma_start3A_123] : memref<1000000x32xf32, #tpu.memory_space<hbm>> -> memref<1000000x32xf32, #tpu.memory_space<hbm>>
    tpu.enqueue_indirect_dma source(%dma_start3A_124 : memref<1000000x32xf32, #tpu.memory_space<hbm>>) target(%arg9 : memref<832x32xf32, #tpu.memory_space<vmem>>) offsets(%dma_start3A_121 : memref<832xi32, #tpu.memory_space<vmem>>) semaphore(%arg13 : memref<!tpu.dma_semaphore, #tpu.memory_space<semaphore_mem>>)
    %dma_wait3A_125 = arith.constant 4 : i32
    %dma_wait3A_126 = arith.constant 0 : i32
    %dma_wait3A_127 = tpu.memref_slice %arg5[%dma_wait3A_125, %dma_wait3A_126] : memref<16x832xi32, #tpu.memory_space<vmem>> -> memref<1x832xi32, #tpu.memory_space<vmem>>
    %dma_wait3A_128 = tpu.memref_squeeze %dma_wait3A_127 : memref<1x832xi32, #tpu.memory_space<vmem>> -> memref<832xi32, #tpu.memory_space<vmem>>
    %dma_wait3A_129 = arith.constant 0 : i32
    %dma_wait3A_130 = arith.constant 0 : i32
    %dma_wait3A_131 = tpu.memref_slice %arg3[%dma_wait3A_129, %dma_wait3A_130] : memref<1000000x32xf32, #tpu.memory_space<hbm>> -> memref<1000000x32xf32, #tpu.memory_space<hbm>>
    tpu.wait_indirect_dma semaphore(%arg10 : memref<!tpu.dma_semaphore, #tpu.memory_space<semaphore_mem>>) src(%dma_wait3A_131 : memref<1000000x32xf32, #tpu.memory_space<hbm>>) dst(%arg6 : memref<832x32xf32, #tpu.memory_space<vmem>>)
    %add3A_132 = arith.constant 3328 : i32
    %add3A_133 = arith.addi %mul3A_2, %add3A_132 : i32
    %dma_start3A_134 = arith.constant 0 : i32
    %dma_start3A_135 = tpu.memref_slice %arg4[%add3A_133, %dma_start3A_134] : memref<425984x32xf32, #tpu.memory_space<hbm>> -> memref<832x32xf32, #tpu.memory_space<hbm>>
    %dma_start3A_136 = arith.constant 0 : i32
    %dma_start3A_137 = tpu.memref_slice %arg4[%add3A_133, %dma_start3A_136] : memref<425984x32xf32, #tpu.memory_space<hbm>> -> memref<832x32xf32, #tpu.memory_space<hbm>>
    tpu.enqueue_dma source(%arg6 : memref<832x32xf32, #tpu.memory_space<vmem>>) target(%dma_start3A_137 : memref<832x32xf32, #tpu.memory_space<hbm>>) target_semaphore(%arg14 : memref<!tpu.dma_semaphore, #tpu.memory_space<semaphore_mem>>)
    %dma_wait3A_138 = arith.constant 0 : i32
    %dma_wait3A_139 = tpu.memref_slice %arg4[%add3A_133, %dma_wait3A_138] : memref<425984x32xf32, #tpu.memory_space<hbm>> -> memref<832x32xf32, #tpu.memory_space<hbm>>
    %dma_wait3A_140 = arith.constant 0 : i32
    %dma_wait3A_141 = tpu.memref_slice %arg4[%add3A_133, %dma_wait3A_140] : memref<425984x32xf32, #tpu.memory_space<hbm>> -> memref<832x32xf32, #tpu.memory_space<hbm>>
    tpu.wait_dma2 semaphore(%arg14 : memref<!tpu.dma_semaphore, #tpu.memory_space<semaphore_mem>>) src(%arg6 : memref<832x32xf32, #tpu.memory_space<vmem>>) dst(%dma_wait3A_141 : memref<832x32xf32, #tpu.memory_space<hbm>>)
    %dma_start3A_142 = arith.constant 8 : i32
    %dma_start3A_143 = arith.constant 0 : i32
    %dma_start3A_144 = tpu.memref_slice %arg5[%dma_start3A_142, %dma_start3A_143] : memref<16x832xi32, #tpu.memory_space<vmem>> -> memref<1x832xi32, #tpu.memory_space<vmem>>
    %dma_start3A_145 = tpu.memref_squeeze %dma_start3A_144 : memref<1x832xi32, #tpu.memory_space<vmem>> -> memref<832xi32, #tpu.memory_space<vmem>>
    %dma_start3A_146 = arith.constant 0 : i32
    %dma_start3A_147 = arith.constant 0 : i32
    %dma_start3A_148 = tpu.memref_slice %arg3[%dma_start3A_146, %dma_start3A_147] : memref<1000000x32xf32, #tpu.memory_space<hbm>> -> memref<1000000x32xf32, #tpu.memory_space<hbm>>
    tpu.enqueue_indirect_dma source(%dma_start3A_148 : memref<1000000x32xf32, #tpu.memory_space<hbm>>) target(%arg6 : memref<832x32xf32, #tpu.memory_space<vmem>>) offsets(%dma_start3A_145 : memref<832xi32, #tpu.memory_space<vmem>>) semaphore(%arg10 : memref<!tpu.dma_semaphore, #tpu.memory_space<semaphore_mem>>)
    %dma_wait3A_149 = arith.constant 5 : i32
    %dma_wait3A_150 = arith.constant 0 : i32
    %dma_wait3A_151 = tpu.memref_slice %arg5[%dma_wait3A_149, %dma_wait3A_150] : memref<16x832xi32, #tpu.memory_space<vmem>> -> memref<1x832xi32, #tpu.memory_space<vmem>>
    %dma_wait3A_152 = tpu.memref_squeeze %dma_wait3A_151 : memref<1x832xi32, #tpu.memory_space<vmem>> -> memref<832xi32, #tpu.memory_space<vmem>>
    %dma_wait3A_153 = arith.constant 0 : i32
    %dma_wait3A_154 = arith.constant 0 : i32
    %dma_wait3A_155 = tpu.memref_slice %arg3[%dma_wait3A_153, %dma_wait3A_154] : memref<1000000x32xf32, #tpu.memory_space<hbm>> -> memref<1000000x32xf32, #tpu.memory_space<hbm>>
    tpu.wait_indirect_dma semaphore(%arg11 : memref<!tpu.dma_semaphore, #tpu.memory_space<semaphore_mem>>) src(%dma_wait3A_155 : memref<1000000x32xf32, #tpu.memory_space<hbm>>) dst(%arg7 : memref<832x32xf32, #tpu.memory_space<vmem>>)
    %add3A_156 = arith.constant 4160 : i32
    %add3A_157 = arith.addi %mul3A_2, %add3A_156 : i32
    %dma_start3A_158 = arith.constant 0 : i32
    %dma_start3A_159 = tpu.memref_slice %arg4[%add3A_157, %dma_start3A_158] : memref<425984x32xf32, #tpu.memory_space<hbm>> -> memref<832x32xf32, #tpu.memory_space<hbm>>
    %dma_start3A_160 = arith.constant 0 : i32
    %dma_start3A_161 = tpu.memref_slice %arg4[%add3A_157, %dma_start3A_160] : memref<425984x32xf32, #tpu.memory_space<hbm>> -> memref<832x32xf32, #tpu.memory_space<hbm>>
    tpu.enqueue_dma source(%arg7 : memref<832x32xf32, #tpu.memory_space<vmem>>) target(%dma_start3A_161 : memref<832x32xf32, #tpu.memory_space<hbm>>) target_semaphore(%arg15 : memref<!tpu.dma_semaphore, #tpu.memory_space<semaphore_mem>>)
    %dma_wait3A_162 = arith.constant 0 : i32
    %dma_wait3A_163 = tpu.memref_slice %arg4[%add3A_157, %dma_wait3A_162] : memref<425984x32xf32, #tpu.memory_space<hbm>> -> memref<832x32xf32, #tpu.memory_space<hbm>>
    %dma_wait3A_164 = arith.constant 0 : i32
    %dma_wait3A_165 = tpu.memref_slice %arg4[%add3A_157, %dma_wait3A_164] : memref<425984x32xf32, #tpu.memory_space<hbm>> -> memref<832x32xf32, #tpu.memory_space<hbm>>
    tpu.wait_dma2 semaphore(%arg15 : memref<!tpu.dma_semaphore, #tpu.memory_space<semaphore_mem>>) src(%arg7 : memref<832x32xf32, #tpu.memory_space<vmem>>) dst(%dma_wait3A_165 : memref<832x32xf32, #tpu.memory_space<hbm>>)
    %dma_start3A_166 = arith.constant 9 : i32
    %dma_start3A_167 = arith.constant 0 : i32
    %dma_start3A_168 = tpu.memref_slice %arg5[%dma_start3A_166, %dma_start3A_167] : memref<16x832xi32, #tpu.memory_space<vmem>> -> memref<1x832xi32, #tpu.memory_space<vmem>>
    %dma_start3A_169 = tpu.memref_squeeze %dma_start3A_168 : memref<1x832xi32, #tpu.memory_space<vmem>> -> memref<832xi32, #tpu.memory_space<vmem>>
    %dma_start3A_170 = arith.constant 0 : i32
    %dma_start3A_171 = arith.constant 0 : i32
    %dma_start3A_172 = tpu.memref_slice %arg3[%dma_start3A_170, %dma_start3A_171] : memref<1000000x32xf32, #tpu.memory_space<hbm>> -> memref<1000000x32xf32, #tpu.memory_space<hbm>>
    tpu.enqueue_indirect_dma source(%dma_start3A_172 : memref<1000000x32xf32, #tpu.memory_space<hbm>>) target(%arg7 : memref<832x32xf32, #tpu.memory_space<vmem>>) offsets(%dma_start3A_169 : memref<832xi32, #tpu.memory_space<vmem>>) semaphore(%arg11 : memref<!tpu.dma_semaphore, #tpu.memory_space<semaphore_mem>>)
    %dma_wait3A_173 = arith.constant 6 : i32
    %dma_wait3A_174 = arith.constant 0 : i32
    %dma_wait3A_175 = tpu.memref_slice %arg5[%dma_wait3A_173, %dma_wait3A_174] : memref<16x832xi32, #tpu.memory_space<vmem>> -> memref<1x832xi32, #tpu.memory_space<vmem>>
    %dma_wait3A_176 = tpu.memref_squeeze %dma_wait3A_175 : memref<1x832xi32, #tpu.memory_space<vmem>> -> memref<832xi32, #tpu.memory_space<vmem>>
    %dma_wait3A_177 = arith.constant 0 : i32
    %dma_wait3A_178 = arith.constant 0 : i32
    %dma_wait3A_179 = tpu.memref_slice %arg3[%dma_wait3A_177, %dma_wait3A_178] : memref<1000000x32xf32, #tpu.memory_space<hbm>> -> memref<1000000x32xf32, #tpu.memory_space<hbm>>
    tpu.wait_indirect_dma semaphore(%arg12 : memref<!tpu.dma_semaphore, #tpu.memory_space<semaphore_mem>>) src(%dma_wait3A_179 : memref<1000000x32xf32, #tpu.memory_space<hbm>>) dst(%arg8 : memref<832x32xf32, #tpu.memory_space<vmem>>)
    %add3A_180 = arith.constant 4992 : i32
    %add3A_181 = arith.addi %mul3A_2, %add3A_180 : i32
    %dma_start3A_182 = arith.constant 0 : i32
    %dma_start3A_183 = tpu.memref_slice %arg4[%add3A_181, %dma_start3A_182] : memref<425984x32xf32, #tpu.memory_space<hbm>> -> memref<832x32xf32, #tpu.memory_space<hbm>>
    %dma_start3A_184 = arith.constant 0 : i32
    %dma_start3A_185 = tpu.memref_slice %arg4[%add3A_181, %dma_start3A_184] : memref<425984x32xf32, #tpu.memory_space<hbm>> -> memref<832x32xf32, #tpu.memory_space<hbm>>
    tpu.enqueue_dma source(%arg8 : memref<832x32xf32, #tpu.memory_space<vmem>>) target(%dma_start3A_185 : memref<832x32xf32, #tpu.memory_space<hbm>>) target_semaphore(%arg16 : memref<!tpu.dma_semaphore, #tpu.memory_space<semaphore_mem>>)
    %dma_wait3A_186 = arith.constant 0 : i32
    %dma_wait3A_187 = tpu.memref_slice %arg4[%add3A_181, %dma_wait3A_186] : memref<425984x32xf32, #tpu.memory_space<hbm>> -> memref<832x32xf32, #tpu.memory_space<hbm>>
    %dma_wait3A_188 = arith.constant 0 : i32
    %dma_wait3A_189 = tpu.memref_slice %arg4[%add3A_181, %dma_wait3A_188] : memref<425984x32xf32, #tpu.memory_space<hbm>> -> memref<832x32xf32, #tpu.memory_space<hbm>>
    tpu.wait_dma2 semaphore(%arg16 : memref<!tpu.dma_semaphore, #tpu.memory_space<semaphore_mem>>) src(%arg8 : memref<832x32xf32, #tpu.memory_space<vmem>>) dst(%dma_wait3A_189 : memref<832x32xf32, #tpu.memory_space<hbm>>)
    %dma_start3A_190 = arith.constant 10 : i32
    %dma_start3A_191 = arith.constant 0 : i32
    %dma_start3A_192 = tpu.memref_slice %arg5[%dma_start3A_190, %dma_start3A_191] : memref<16x832xi32, #tpu.memory_space<vmem>> -> memref<1x832xi32, #tpu.memory_space<vmem>>
    %dma_start3A_193 = tpu.memref_squeeze %dma_start3A_192 : memref<1x832xi32, #tpu.memory_space<vmem>> -> memref<832xi32, #tpu.memory_space<vmem>>
    %dma_start3A_194 = arith.constant 0 : i32
    %dma_start3A_195 = arith.constant 0 : i32
    %dma_start3A_196 = tpu.memref_slice %arg3[%dma_start3A_194, %dma_start3A_195] : memref<1000000x32xf32, #tpu.memory_space<hbm>> -> memref<1000000x32xf32, #tpu.memory_space<hbm>>
    tpu.enqueue_indirect_dma source(%dma_start3A_196 : memref<1000000x32xf32, #tpu.memory_space<hbm>>) target(%arg8 : memref<832x32xf32, #tpu.memory_space<vmem>>) offsets(%dma_start3A_193 : memref<832xi32, #tpu.memory_space<vmem>>) semaphore(%arg12 : memref<!tpu.dma_semaphore, #tpu.memory_space<semaphore_mem>>)
    %dma_wait3A_197 = arith.constant 7 : i32
    %dma_wait3A_198 = arith.constant 0 : i32
    %dma_wait3A_199 = tpu.memref_slice %arg5[%dma_wait3A_197, %dma_wait3A_198] : memref<16x832xi32, #tpu.memory_space<vmem>> -> memref<1x832xi32, #tpu.memory_space<vmem>>
    %dma_wait3A_200 = tpu.memref_squeeze %dma_wait3A_199 : memref<1x832xi32, #tpu.memory_space<vmem>> -> memref<832xi32, #tpu.memory_space<vmem>>
    %dma_wait3A_201 = arith.constant 0 : i32
    %dma_wait3A_202 = arith.constant 0 : i32
    %dma_wait3A_203 = tpu.memref_slice %arg3[%dma_wait3A_201, %dma_wait3A_202] : memref<1000000x32xf32, #tpu.memory_space<hbm>> -> memref<1000000x32xf32, #tpu.memory_space<hbm>>
    tpu.wait_indirect_dma semaphore(%arg13 : memref<!tpu.dma_semaphore, #tpu.memory_space<semaphore_mem>>) src(%dma_wait3A_203 : memref<1000000x32xf32, #tpu.memory_space<hbm>>) dst(%arg9 : memref<832x32xf32, #tpu.memory_space<vmem>>)
    %add3A_204 = arith.constant 5824 : i32
    %add3A_205 = arith.addi %mul3A_2, %add3A_204 : i32
    %dma_start3A_206 = arith.constant 0 : i32
    %dma_start3A_207 = tpu.memref_slice %arg4[%add3A_205, %dma_start3A_206] : memref<425984x32xf32, #tpu.memory_space<hbm>> -> memref<832x32xf32, #tpu.memory_space<hbm>>
    %dma_start3A_208 = arith.constant 0 : i32
    %dma_start3A_209 = tpu.memref_slice %arg4[%add3A_205, %dma_start3A_208] : memref<425984x32xf32, #tpu.memory_space<hbm>> -> memref<832x32xf32, #tpu.memory_space<hbm>>
    tpu.enqueue_dma source(%arg9 : memref<832x32xf32, #tpu.memory_space<vmem>>) target(%dma_start3A_209 : memref<832x32xf32, #tpu.memory_space<hbm>>) target_semaphore(%arg17 : memref<!tpu.dma_semaphore, #tpu.memory_space<semaphore_mem>>)
    %dma_wait3A_210 = arith.constant 0 : i32
    %dma_wait3A_211 = tpu.memref_slice %arg4[%add3A_205, %dma_wait3A_210] : memref<425984x32xf32, #tpu.memory_space<hbm>> -> memref<832x32xf32, #tpu.memory_space<hbm>>
    %dma_wait3A_212 = arith.constant 0 : i32
    %dma_wait3A_213 = tpu.memref_slice %arg4[%add3A_205, %dma_wait3A_212] : memref<425984x32xf32, #tpu.memory_space<hbm>> -> memref<832x32xf32, #tpu.memory_space<hbm>>
    tpu.wait_dma2 semaphore(%arg17 : memref<!tpu.dma_semaphore, #tpu.memory_space<semaphore_mem>>) src(%arg9 : memref<832x32xf32, #tpu.memory_space<vmem>>) dst(%dma_wait3A_213 : memref<832x32xf32, #tpu.memory_space<hbm>>)
    %dma_start3A_214 = arith.constant 11 : i32
    %dma_start3A_215 = arith.constant 0 : i32
    %dma_start3A_216 = tpu.memref_slice %arg5[%dma_start3A_214, %dma_start3A_215] : memref<16x832xi32, #tpu.memory_space<vmem>> -> memref<1x832xi32, #tpu.memory_space<vmem>>
    %dma_start3A_217 = tpu.memref_squeeze %dma_start3A_216 : memref<1x832xi32, #tpu.memory_space<vmem>> -> memref<832xi32, #tpu.memory_space<vmem>>
    %dma_start3A_218 = arith.constant 0 : i32
    %dma_start3A_219 = arith.constant 0 : i32
    %dma_start3A_220 = tpu.memref_slice %arg3[%dma_start3A_218, %dma_start3A_219] : memref<1000000x32xf32, #tpu.memory_space<hbm>> -> memref<1000000x32xf32, #tpu.memory_space<hbm>>
    tpu.enqueue_indirect_dma source(%dma_start3A_220 : memref<1000000x32xf32, #tpu.memory_space<hbm>>) target(%arg9 : memref<832x32xf32, #tpu.memory_space<vmem>>) offsets(%dma_start3A_217 : memref<832xi32, #tpu.memory_space<vmem>>) semaphore(%arg13 : memref<!tpu.dma_semaphore, #tpu.memory_space<semaphore_mem>>)
    %dma_wait3A_221 = arith.constant 8 : i32
    %dma_wait3A_222 = arith.constant 0 : i32
    %dma_wait3A_223 = tpu.memref_slice %arg5[%dma_wait3A_221, %dma_wait3A_222] : memref<16x832xi32, #tpu.memory_space<vmem>> -> memref<1x832xi32, #tpu.memory_space<vmem>>
    %dma_wait3A_224 = tpu.memref_squeeze %dma_wait3A_223 : memref<1x832xi32, #tpu.memory_space<vmem>> -> memref<832xi32, #tpu.memory_space<vmem>>
    %dma_wait3A_225 = arith.constant 0 : i32
    %dma_wait3A_226 = arith.constant 0 : i32
    %dma_wait3A_227 = tpu.memref_slice %arg3[%dma_wait3A_225, %dma_wait3A_226] : memref<1000000x32xf32, #tpu.memory_space<hbm>> -> memref<1000000x32xf32, #tpu.memory_space<hbm>>
    tpu.wait_indirect_dma semaphore(%arg10 : memref<!tpu.dma_semaphore, #tpu.memory_space<semaphore_mem>>) src(%dma_wait3A_227 : memref<1000000x32xf32, #tpu.memory_space<hbm>>) dst(%arg6 : memref<832x32xf32, #tpu.memory_space<vmem>>)
    %add3A_228 = arith.constant 6656 : i32
    %add3A_229 = arith.addi %mul3A_2, %add3A_228 : i32
    %dma_start3A_230 = arith.constant 0 : i32
    %dma_start3A_231 = tpu.memref_slice %arg4[%add3A_229, %dma_start3A_230] : memref<425984x32xf32, #tpu.memory_space<hbm>> -> memref<832x32xf32, #tpu.memory_space<hbm>>
    %dma_start3A_232 = arith.constant 0 : i32
    %dma_start3A_233 = tpu.memref_slice %arg4[%add3A_229, %dma_start3A_232] : memref<425984x32xf32, #tpu.memory_space<hbm>> -> memref<832x32xf32, #tpu.memory_space<hbm>>
    tpu.enqueue_dma source(%arg6 : memref<832x32xf32, #tpu.memory_space<vmem>>) target(%dma_start3A_233 : memref<832x32xf32, #tpu.memory_space<hbm>>) target_semaphore(%arg14 : memref<!tpu.dma_semaphore, #tpu.memory_space<semaphore_mem>>)
    %dma_wait3A_234 = arith.constant 0 : i32
    %dma_wait3A_235 = tpu.memref_slice %arg4[%add3A_229, %dma_wait3A_234] : memref<425984x32xf32, #tpu.memory_space<hbm>> -> memref<832x32xf32, #tpu.memory_space<hbm>>
    %dma_wait3A_236 = arith.constant 0 : i32
    %dma_wait3A_237 = tpu.memref_slice %arg4[%add3A_229, %dma_wait3A_236] : memref<425984x32xf32, #tpu.memory_space<hbm>> -> memref<832x32xf32, #tpu.memory_space<hbm>>
    tpu.wait_dma2 semaphore(%arg14 : memref<!tpu.dma_semaphore, #tpu.memory_space<semaphore_mem>>) src(%arg6 : memref<832x32xf32, #tpu.memory_space<vmem>>) dst(%dma_wait3A_237 : memref<832x32xf32, #tpu.memory_space<hbm>>)
    %dma_start3A_238 = arith.constant 12 : i32
    %dma_start3A_239 = arith.constant 0 : i32
    %dma_start3A_240 = tpu.memref_slice %arg5[%dma_start3A_238, %dma_start3A_239] : memref<16x832xi32, #tpu.memory_space<vmem>> -> memref<1x832xi32, #tpu.memory_space<vmem>>
    %dma_start3A_241 = tpu.memref_squeeze %dma_start3A_240 : memref<1x832xi32, #tpu.memory_space<vmem>> -> memref<832xi32, #tpu.memory_space<vmem>>
    %dma_start3A_242 = arith.constant 0 : i32
    %dma_start3A_243 = arith.constant 0 : i32
    %dma_start3A_244 = tpu.memref_slice %arg3[%dma_start3A_242, %dma_start3A_243] : memref<1000000x32xf32, #tpu.memory_space<hbm>> -> memref<1000000x32xf32, #tpu.memory_space<hbm>>
    tpu.enqueue_indirect_dma source(%dma_start3A_244 : memref<1000000x32xf32, #tpu.memory_space<hbm>>) target(%arg6 : memref<832x32xf32, #tpu.memory_space<vmem>>) offsets(%dma_start3A_241 : memref<832xi32, #tpu.memory_space<vmem>>) semaphore(%arg10 : memref<!tpu.dma_semaphore, #tpu.memory_space<semaphore_mem>>)
    %dma_wait3A_245 = arith.constant 9 : i32
    %dma_wait3A_246 = arith.constant 0 : i32
    %dma_wait3A_247 = tpu.memref_slice %arg5[%dma_wait3A_245, %dma_wait3A_246] : memref<16x832xi32, #tpu.memory_space<vmem>> -> memref<1x832xi32, #tpu.memory_space<vmem>>
    %dma_wait3A_248 = tpu.memref_squeeze %dma_wait3A_247 : memref<1x832xi32, #tpu.memory_space<vmem>> -> memref<832xi32, #tpu.memory_space<vmem>>
    %dma_wait3A_249 = arith.constant 0 : i32
    %dma_wait3A_250 = arith.constant 0 : i32
    %dma_wait3A_251 = tpu.memref_slice %arg3[%dma_wait3A_249, %dma_wait3A_250] : memref<1000000x32xf32, #tpu.memory_space<hbm>> -> memref<1000000x32xf32, #tpu.memory_space<hbm>>
    tpu.wait_indirect_dma semaphore(%arg11 : memref<!tpu.dma_semaphore, #tpu.memory_space<semaphore_mem>>) src(%dma_wait3A_251 : memref<1000000x32xf32, #tpu.memory_space<hbm>>) dst(%arg7 : memref<832x32xf32, #tpu.memory_space<vmem>>)
    %add3A_252 = arith.constant 7488 : i32
    %add3A_253 = arith.addi %mul3A_2, %add3A_252 : i32
    %dma_start3A_254 = arith.constant 0 : i32
    %dma_start3A_255 = tpu.memref_slice %arg4[%add3A_253, %dma_start3A_254] : memref<425984x32xf32, #tpu.memory_space<hbm>> -> memref<832x32xf32, #tpu.memory_space<hbm>>
    %dma_start3A_256 = arith.constant 0 : i32
    %dma_start3A_257 = tpu.memref_slice %arg4[%add3A_253, %dma_start3A_256] : memref<425984x32xf32, #tpu.memory_space<hbm>> -> memref<832x32xf32, #tpu.memory_space<hbm>>
    tpu.enqueue_dma source(%arg7 : memref<832x32xf32, #tpu.memory_space<vmem>>) target(%dma_start3A_257 : memref<832x32xf32, #tpu.memory_space<hbm>>) target_semaphore(%arg15 : memref<!tpu.dma_semaphore, #tpu.memory_space<semaphore_mem>>)
    %dma_wait3A_258 = arith.constant 0 : i32
    %dma_wait3A_259 = tpu.memref_slice %arg4[%add3A_253, %dma_wait3A_258] : memref<425984x32xf32, #tpu.memory_space<hbm>> -> memref<832x32xf32, #tpu.memory_space<hbm>>
    %dma_wait3A_260 = arith.constant 0 : i32
    %dma_wait3A_261 = tpu.memref_slice %arg4[%add3A_253, %dma_wait3A_260] : memref<425984x32xf32, #tpu.memory_space<hbm>> -> memref<832x32xf32, #tpu.memory_space<hbm>>
    tpu.wait_dma2 semaphore(%arg15 : memref<!tpu.dma_semaphore, #tpu.memory_space<semaphore_mem>>) src(%arg7 : memref<832x32xf32, #tpu.memory_space<vmem>>) dst(%dma_wait3A_261 : memref<832x32xf32, #tpu.memory_space<hbm>>)
    %dma_start3A_262 = arith.constant 13 : i32
    %dma_start3A_263 = arith.constant 0 : i32
    %dma_start3A_264 = tpu.memref_slice %arg5[%dma_start3A_262, %dma_start3A_263] : memref<16x832xi32, #tpu.memory_space<vmem>> -> memref<1x832xi32, #tpu.memory_space<vmem>>
    %dma_start3A_265 = tpu.memref_squeeze %dma_start3A_264 : memref<1x832xi32, #tpu.memory_space<vmem>> -> memref<832xi32, #tpu.memory_space<vmem>>
    %dma_start3A_266 = arith.constant 0 : i32
    %dma_start3A_267 = arith.constant 0 : i32
    %dma_start3A_268 = tpu.memref_slice %arg3[%dma_start3A_266, %dma_start3A_267] : memref<1000000x32xf32, #tpu.memory_space<hbm>> -> memref<1000000x32xf32, #tpu.memory_space<hbm>>
    tpu.enqueue_indirect_dma source(%dma_start3A_268 : memref<1000000x32xf32, #tpu.memory_space<hbm>>) target(%arg7 : memref<832x32xf32, #tpu.memory_space<vmem>>) offsets(%dma_start3A_265 : memref<832xi32, #tpu.memory_space<vmem>>) semaphore(%arg11 : memref<!tpu.dma_semaphore, #tpu.memory_space<semaphore_mem>>)
    %dma_wait3A_269 = arith.constant 10 : i32
    %dma_wait3A_270 = arith.constant 0 : i32
    %dma_wait3A_271 = tpu.memref_slice %arg5[%dma_wait3A_269, %dma_wait3A_270] : memref<16x832xi32, #tpu.memory_space<vmem>> -> memref<1x832xi32, #tpu.memory_space<vmem>>
    %dma_wait3A_272 = tpu.memref_squeeze %dma_wait3A_271 : memref<1x832xi32, #tpu.memory_space<vmem>> -> memref<832xi32, #tpu.memory_space<vmem>>
    %dma_wait3A_273 = arith.constant 0 : i32
    %dma_wait3A_274 = arith.constant 0 : i32
    %dma_wait3A_275 = tpu.memref_slice %arg3[%dma_wait3A_273, %dma_wait3A_274] : memref<1000000x32xf32, #tpu.memory_space<hbm>> -> memref<1000000x32xf32, #tpu.memory_space<hbm>>
    tpu.wait_indirect_dma semaphore(%arg12 : memref<!tpu.dma_semaphore, #tpu.memory_space<semaphore_mem>>) src(%dma_wait3A_275 : memref<1000000x32xf32, #tpu.memory_space<hbm>>) dst(%arg8 : memref<832x32xf32, #tpu.memory_space<vmem>>)
    %add3A_276 = arith.constant 8320 : i32
    %add3A_277 = arith.addi %mul3A_2, %add3A_276 : i32
    %dma_start3A_278 = arith.constant 0 : i32
    %dma_start3A_279 = tpu.memref_slice %arg4[%add3A_277, %dma_start3A_278] : memref<425984x32xf32, #tpu.memory_space<hbm>> -> memref<832x32xf32, #tpu.memory_space<hbm>>
    %dma_start3A_280 = arith.constant 0 : i32
    %dma_start3A_281 = tpu.memref_slice %arg4[%add3A_277, %dma_start3A_280] : memref<425984x32xf32, #tpu.memory_space<hbm>> -> memref<832x32xf32, #tpu.memory_space<hbm>>
    tpu.enqueue_dma source(%arg8 : memref<832x32xf32, #tpu.memory_space<vmem>>) target(%dma_start3A_281 : memref<832x32xf32, #tpu.memory_space<hbm>>) target_semaphore(%arg16 : memref<!tpu.dma_semaphore, #tpu.memory_space<semaphore_mem>>)
    %dma_wait3A_282 = arith.constant 0 : i32
    %dma_wait3A_283 = tpu.memref_slice %arg4[%add3A_277, %dma_wait3A_282] : memref<425984x32xf32, #tpu.memory_space<hbm>> -> memref<832x32xf32, #tpu.memory_space<hbm>>
    %dma_wait3A_284 = arith.constant 0 : i32
    %dma_wait3A_285 = tpu.memref_slice %arg4[%add3A_277, %dma_wait3A_284] : memref<425984x32xf32, #tpu.memory_space<hbm>> -> memref<832x32xf32, #tpu.memory_space<hbm>>
    tpu.wait_dma2 semaphore(%arg16 : memref<!tpu.dma_semaphore, #tpu.memory_space<semaphore_mem>>) src(%arg8 : memref<832x32xf32, #tpu.memory_space<vmem>>) dst(%dma_wait3A_285 : memref<832x32xf32, #tpu.memory_space<hbm>>)
    %dma_start3A_286 = arith.constant 14 : i32
    %dma_start3A_287 = arith.constant 0 : i32
    %dma_start3A_288 = tpu.memref_slice %arg5[%dma_start3A_286, %dma_start3A_287] : memref<16x832xi32, #tpu.memory_space<vmem>> -> memref<1x832xi32, #tpu.memory_space<vmem>>
    %dma_start3A_289 = tpu.memref_squeeze %dma_start3A_288 : memref<1x832xi32, #tpu.memory_space<vmem>> -> memref<832xi32, #tpu.memory_space<vmem>>
    %dma_start3A_290 = arith.constant 0 : i32
    %dma_start3A_291 = arith.constant 0 : i32
    %dma_start3A_292 = tpu.memref_slice %arg3[%dma_start3A_290, %dma_start3A_291] : memref<1000000x32xf32, #tpu.memory_space<hbm>> -> memref<1000000x32xf32, #tpu.memory_space<hbm>>
    tpu.enqueue_indirect_dma source(%dma_start3A_292 : memref<1000000x32xf32, #tpu.memory_space<hbm>>) target(%arg8 : memref<832x32xf32, #tpu.memory_space<vmem>>) offsets(%dma_start3A_289 : memref<832xi32, #tpu.memory_space<vmem>>) semaphore(%arg12 : memref<!tpu.dma_semaphore, #tpu.memory_space<semaphore_mem>>)
    %dma_wait3A_293 = arith.constant 11 : i32
    %dma_wait3A_294 = arith.constant 0 : i32
    %dma_wait3A_295 = tpu.memref_slice %arg5[%dma_wait3A_293, %dma_wait3A_294] : memref<16x832xi32, #tpu.memory_space<vmem>> -> memref<1x832xi32, #tpu.memory_space<vmem>>
    %dma_wait3A_296 = tpu.memref_squeeze %dma_wait3A_295 : memref<1x832xi32, #tpu.memory_space<vmem>> -> memref<832xi32, #tpu.memory_space<vmem>>
    %dma_wait3A_297 = arith.constant 0 : i32
    %dma_wait3A_298 = arith.constant 0 : i32
    %dma_wait3A_299 = tpu.memref_slice %arg3[%dma_wait3A_297, %dma_wait3A_298] : memref<1000000x32xf32, #tpu.memory_space<hbm>> -> memref<1000000x32xf32, #tpu.memory_space<hbm>>
    tpu.wait_indirect_dma semaphore(%arg13 : memref<!tpu.dma_semaphore, #tpu.memory_space<semaphore_mem>>) src(%dma_wait3A_299 : memref<1000000x32xf32, #tpu.memory_space<hbm>>) dst(%arg9 : memref<832x32xf32, #tpu.memory_space<vmem>>)
    %add3A_300 = arith.constant 9152 : i32
    %add3A_301 = arith.addi %mul3A_2, %add3A_300 : i32
    %dma_start3A_302 = arith.constant 0 : i32
    %dma_start3A_303 = tpu.memref_slice %arg4[%add3A_301, %dma_start3A_302] : memref<425984x32xf32, #tpu.memory_space<hbm>> -> memref<832x32xf32, #tpu.memory_space<hbm>>
    %dma_start3A_304 = arith.constant 0 : i32
    %dma_start3A_305 = tpu.memref_slice %arg4[%add3A_301, %dma_start3A_304] : memref<425984x32xf32, #tpu.memory_space<hbm>> -> memref<832x32xf32, #tpu.memory_space<hbm>>
    tpu.enqueue_dma source(%arg9 : memref<832x32xf32, #tpu.memory_space<vmem>>) target(%dma_start3A_305 : memref<832x32xf32, #tpu.memory_space<hbm>>) target_semaphore(%arg17 : memref<!tpu.dma_semaphore, #tpu.memory_space<semaphore_mem>>)
    %dma_wait3A_306 = arith.constant 0 : i32
    %dma_wait3A_307 = tpu.memref_slice %arg4[%add3A_301, %dma_wait3A_306] : memref<425984x32xf32, #tpu.memory_space<hbm>> -> memref<832x32xf32, #tpu.memory_space<hbm>>
    %dma_wait3A_308 = arith.constant 0 : i32
    %dma_wait3A_309 = tpu.memref_slice %arg4[%add3A_301, %dma_wait3A_308] : memref<425984x32xf32, #tpu.memory_space<hbm>> -> memref<832x32xf32, #tpu.memory_space<hbm>>
    tpu.wait_dma2 semaphore(%arg17 : memref<!tpu.dma_semaphore, #tpu.memory_space<semaphore_mem>>) src(%arg9 : memref<832x32xf32, #tpu.memory_space<vmem>>) dst(%dma_wait3A_309 : memref<832x32xf32, #tpu.memory_space<hbm>>)
    %dma_start3A_310 = arith.constant 15 : i32
    %dma_start3A_311 = arith.constant 0 : i32
    %dma_start3A_312 = tpu.memref_slice %arg5[%dma_start3A_310, %dma_start3A_311] : memref<16x832xi32, #tpu.memory_space<vmem>> -> memref<1x832xi32, #tpu.memory_space<vmem>>
    %dma_start3A_313 = tpu.memref_squeeze %dma_start3A_312 : memref<1x832xi32, #tpu.memory_space<vmem>> -> memref<832xi32, #tpu.memory_space<vmem>>
    %dma_start3A_314 = arith.constant 0 : i32
    %dma_start3A_315 = arith.constant 0 : i32
    %dma_start3A_316 = tpu.memref_slice %arg3[%dma_start3A_314, %dma_start3A_315] : memref<1000000x32xf32, #tpu.memory_space<hbm>> -> memref<1000000x32xf32, #tpu.memory_space<hbm>>
    tpu.enqueue_indirect_dma source(%dma_start3A_316 : memref<1000000x32xf32, #tpu.memory_space<hbm>>) target(%arg9 : memref<832x32xf32, #tpu.memory_space<vmem>>) offsets(%dma_start3A_313 : memref<832xi32, #tpu.memory_space<vmem>>) semaphore(%arg13 : memref<!tpu.dma_semaphore, #tpu.memory_space<semaphore_mem>>)
    %dma_wait3A_317 = arith.constant 12 : i32
    %dma_wait3A_318 = arith.constant 0 : i32
    %dma_wait3A_319 = tpu.memref_slice %arg5[%dma_wait3A_317, %dma_wait3A_318] : memref<16x832xi32, #tpu.memory_space<vmem>> -> memref<1x832xi32, #tpu.memory_space<vmem>>
    %dma_wait3A_320 = tpu.memref_squeeze %dma_wait3A_319 : memref<1x832xi32, #tpu.memory_space<vmem>> -> memref<832xi32, #tpu.memory_space<vmem>>
    %dma_wait3A_321 = arith.constant 0 : i32
    %dma_wait3A_322 = arith.constant 0 : i32
    %dma_wait3A_323 = tpu.memref_slice %arg3[%dma_wait3A_321, %dma_wait3A_322] : memref<1000000x32xf32, #tpu.memory_space<hbm>> -> memref<1000000x32xf32, #tpu.memory_space<hbm>>
    tpu.wait_indirect_dma semaphore(%arg10 : memref<!tpu.dma_semaphore, #tpu.memory_space<semaphore_mem>>) src(%dma_wait3A_323 : memref<1000000x32xf32, #tpu.memory_space<hbm>>) dst(%arg6 : memref<832x32xf32, #tpu.memory_space<vmem>>)
    %add3A_324 = arith.constant 9984 : i32
    %add3A_325 = arith.addi %mul3A_2, %add3A_324 : i32
    %dma_start3A_326 = arith.constant 0 : i32
    %dma_start3A_327 = tpu.memref_slice %arg4[%add3A_325, %dma_start3A_326] : memref<425984x32xf32, #tpu.memory_space<hbm>> -> memref<832x32xf32, #tpu.memory_space<hbm>>
    %dma_start3A_328 = arith.constant 0 : i32
    %dma_start3A_329 = tpu.memref_slice %arg4[%add3A_325, %dma_start3A_328] : memref<425984x32xf32, #tpu.memory_space<hbm>> -> memref<832x32xf32, #tpu.memory_space<hbm>>
    tpu.enqueue_dma source(%arg6 : memref<832x32xf32, #tpu.memory_space<vmem>>) target(%dma_start3A_329 : memref<832x32xf32, #tpu.memory_space<hbm>>) target_semaphore(%arg14 : memref<!tpu.dma_semaphore, #tpu.memory_space<semaphore_mem>>)
    %dma_wait3A_330 = arith.constant 13 : i32
    %dma_wait3A_331 = arith.constant 0 : i32
    %dma_wait3A_332 = tpu.memref_slice %arg5[%dma_wait3A_330, %dma_wait3A_331] : memref<16x832xi32, #tpu.memory_space<vmem>> -> memref<1x832xi32, #tpu.memory_space<vmem>>
    %dma_wait3A_333 = tpu.memref_squeeze %dma_wait3A_332 : memref<1x832xi32, #tpu.memory_space<vmem>> -> memref<832xi32, #tpu.memory_space<vmem>>
    %dma_wait3A_334 = arith.constant 0 : i32
    %dma_wait3A_335 = arith.constant 0 : i32
    %dma_wait3A_336 = tpu.memref_slice %arg3[%dma_wait3A_334, %dma_wait3A_335] : memref<1000000x32xf32, #tpu.memory_space<hbm>> -> memref<1000000x32xf32, #tpu.memory_space<hbm>>
    tpu.wait_indirect_dma semaphore(%arg11 : memref<!tpu.dma_semaphore, #tpu.memory_space<semaphore_mem>>) src(%dma_wait3A_336 : memref<1000000x32xf32, #tpu.memory_space<hbm>>) dst(%arg7 : memref<832x32xf32, #tpu.memory_space<vmem>>)
    %add3A_337 = arith.constant 10816 : i32
    %add3A_338 = arith.addi %mul3A_2, %add3A_337 : i32
    %dma_start3A_339 = arith.constant 0 : i32
    %dma_start3A_340 = tpu.memref_slice %arg4[%add3A_338, %dma_start3A_339] : memref<425984x32xf32, #tpu.memory_space<hbm>> -> memref<832x32xf32, #tpu.memory_space<hbm>>
    %dma_start3A_341 = arith.constant 0 : i32
    %dma_start3A_342 = tpu.memref_slice %arg4[%add3A_338, %dma_start3A_341] : memref<425984x32xf32, #tpu.memory_space<hbm>> -> memref<832x32xf32, #tpu.memory_space<hbm>>
    tpu.enqueue_dma source(%arg7 : memref<832x32xf32, #tpu.memory_space<vmem>>) target(%dma_start3A_342 : memref<832x32xf32, #tpu.memory_space<hbm>>) target_semaphore(%arg15 : memref<!tpu.dma_semaphore, #tpu.memory_space<semaphore_mem>>)
    %dma_wait3A_343 = arith.constant 14 : i32
    %dma_wait3A_344 = arith.constant 0 : i32
    %dma_wait3A_345 = tpu.memref_slice %arg5[%dma_wait3A_343, %dma_wait3A_344] : memref<16x832xi32, #tpu.memory_space<vmem>> -> memref<1x832xi32, #tpu.memory_space<vmem>>
    %dma_wait3A_346 = tpu.memref_squeeze %dma_wait3A_345 : memref<1x832xi32, #tpu.memory_space<vmem>> -> memref<832xi32, #tpu.memory_space<vmem>>
    %dma_wait3A_347 = arith.constant 0 : i32
    %dma_wait3A_348 = arith.constant 0 : i32
    %dma_wait3A_349 = tpu.memref_slice %arg3[%dma_wait3A_347, %dma_wait3A_348] : memref<1000000x32xf32, #tpu.memory_space<hbm>> -> memref<1000000x32xf32, #tpu.memory_space<hbm>>
    tpu.wait_indirect_dma semaphore(%arg12 : memref<!tpu.dma_semaphore, #tpu.memory_space<semaphore_mem>>) src(%dma_wait3A_349 : memref<1000000x32xf32, #tpu.memory_space<hbm>>) dst(%arg8 : memref<832x32xf32, #tpu.memory_space<vmem>>)
    %add3A_350 = arith.constant 11648 : i32
    %add3A_351 = arith.addi %mul3A_2, %add3A_350 : i32
    %dma_start3A_352 = arith.constant 0 : i32
    %dma_start3A_353 = tpu.memref_slice %arg4[%add3A_351, %dma_start3A_352] : memref<425984x32xf32, #tpu.memory_space<hbm>> -> memref<832x32xf32, #tpu.memory_space<hbm>>
    %dma_start3A_354 = arith.constant 0 : i32
    %dma_start3A_355 = tpu.memref_slice %arg4[%add3A_351, %dma_start3A_354] : memref<425984x32xf32, #tpu.memory_space<hbm>> -> memref<832x32xf32, #tpu.memory_space<hbm>>
    tpu.enqueue_dma source(%arg8 : memref<832x32xf32, #tpu.memory_space<vmem>>) target(%dma_start3A_355 : memref<832x32xf32, #tpu.memory_space<hbm>>) target_semaphore(%arg16 : memref<!tpu.dma_semaphore, #tpu.memory_space<semaphore_mem>>)
    %dma_wait3A_356 = arith.constant 15 : i32
    %dma_wait3A_357 = arith.constant 0 : i32
    %dma_wait3A_358 = tpu.memref_slice %arg5[%dma_wait3A_356, %dma_wait3A_357] : memref<16x832xi32, #tpu.memory_space<vmem>> -> memref<1x832xi32, #tpu.memory_space<vmem>>
    %dma_wait3A_359 = tpu.memref_squeeze %dma_wait3A_358 : memref<1x832xi32, #tpu.memory_space<vmem>> -> memref<832xi32, #tpu.memory_space<vmem>>
    %dma_wait3A_360 = arith.constant 0 : i32
    %dma_wait3A_361 = arith.constant 0 : i32
    %dma_wait3A_362 = tpu.memref_slice %arg3[%dma_wait3A_360, %dma_wait3A_361] : memref<1000000x32xf32, #tpu.memory_space<hbm>> -> memref<1000000x32xf32, #tpu.memory_space<hbm>>
    tpu.wait_indirect_dma semaphore(%arg13 : memref<!tpu.dma_semaphore, #tpu.memory_space<semaphore_mem>>) src(%dma_wait3A_362 : memref<1000000x32xf32, #tpu.memory_space<hbm>>) dst(%arg9 : memref<832x32xf32, #tpu.memory_space<vmem>>)
    %add3A_363 = arith.constant 12480 : i32
    %add3A_364 = arith.addi %mul3A_2, %add3A_363 : i32
    %dma_start3A_365 = arith.constant 0 : i32
    %dma_start3A_366 = tpu.memref_slice %arg4[%add3A_364, %dma_start3A_365] : memref<425984x32xf32, #tpu.memory_space<hbm>> -> memref<832x32xf32, #tpu.memory_space<hbm>>
    %dma_start3A_367 = arith.constant 0 : i32
    %dma_start3A_368 = tpu.memref_slice %arg4[%add3A_364, %dma_start3A_367] : memref<425984x32xf32, #tpu.memory_space<hbm>> -> memref<832x32xf32, #tpu.memory_space<hbm>>
    tpu.enqueue_dma source(%arg9 : memref<832x32xf32, #tpu.memory_space<vmem>>) target(%dma_start3A_368 : memref<832x32xf32, #tpu.memory_space<hbm>>) target_semaphore(%arg17 : memref<!tpu.dma_semaphore, #tpu.memory_space<semaphore_mem>>)
    %dma_wait3A_369 = arith.constant 0 : i32
    %dma_wait3A_370 = tpu.memref_slice %arg4[%add3A_325, %dma_wait3A_369] : memref<425984x32xf32, #tpu.memory_space<hbm>> -> memref<832x32xf32, #tpu.memory_space<hbm>>
    %dma_wait3A_371 = arith.constant 0 : i32
    %dma_wait3A_372 = tpu.memref_slice %arg4[%add3A_325, %dma_wait3A_371] : memref<425984x32xf32, #tpu.memory_space<hbm>> -> memref<832x32xf32, #tpu.memory_space<hbm>>
    tpu.wait_dma2 semaphore(%arg14 : memref<!tpu.dma_semaphore, #tpu.memory_space<semaphore_mem>>) src(%arg6 : memref<832x32xf32, #tpu.memory_space<vmem>>) dst(%dma_wait3A_372 : memref<832x32xf32, #tpu.memory_space<hbm>>)
    %dma_wait3A_373 = arith.constant 0 : i32
    %dma_wait3A_374 = tpu.memref_slice %arg4[%add3A_338, %dma_wait3A_373] : memref<425984x32xf32, #tpu.memory_space<hbm>> -> memref<832x32xf32, #tpu.memory_space<hbm>>
    %dma_wait3A_375 = arith.constant 0 : i32
    %dma_wait3A_376 = tpu.memref_slice %arg4[%add3A_338, %dma_wait3A_375] : memref<425984x32xf32, #tpu.memory_space<hbm>> -> memref<832x32xf32, #tpu.memory_space<hbm>>
    tpu.wait_dma2 semaphore(%arg15 : memref<!tpu.dma_semaphore, #tpu.memory_space<semaphore_mem>>) src(%arg7 : memref<832x32xf32, #tpu.memory_space<vmem>>) dst(%dma_wait3A_376 : memref<832x32xf32, #tpu.memory_space<hbm>>)
    %dma_wait3A_377 = arith.constant 0 : i32
    %dma_wait3A_378 = tpu.memref_slice %arg4[%add3A_351, %dma_wait3A_377] : memref<425984x32xf32, #tpu.memory_space<hbm>> -> memref<832x32xf32, #tpu.memory_space<hbm>>
    %dma_wait3A_379 = arith.constant 0 : i32
    %dma_wait3A_380 = tpu.memref_slice %arg4[%add3A_351, %dma_wait3A_379] : memref<425984x32xf32, #tpu.memory_space<hbm>> -> memref<832x32xf32, #tpu.memory_space<hbm>>
    tpu.wait_dma2 semaphore(%arg16 : memref<!tpu.dma_semaphore, #tpu.memory_space<semaphore_mem>>) src(%arg8 : memref<832x32xf32, #tpu.memory_space<vmem>>) dst(%dma_wait3A_380 : memref<832x32xf32, #tpu.memory_space<hbm>>)
    %dma_wait3A_381 = arith.constant 0 : i32
    %dma_wait3A_382 = tpu.memref_slice %arg4[%add3A_364, %dma_wait3A_381] : memref<425984x32xf32, #tpu.memory_space<hbm>> -> memref<832x32xf32, #tpu.memory_space<hbm>>
    %dma_wait3A_383 = arith.constant 0 : i32
    %dma_wait3A_384 = tpu.memref_slice %arg4[%add3A_364, %dma_wait3A_383] : memref<425984x32xf32, #tpu.memory_space<hbm>> -> memref<832x32xf32, #tpu.memory_space<hbm>>
    tpu.wait_dma2 semaphore(%arg17 : memref<!tpu.dma_semaphore, #tpu.memory_space<semaphore_mem>>) src(%arg9 : memref<832x32xf32, #tpu.memory_space<vmem>>) dst(%dma_wait3A_384 : memref<832x32xf32, #tpu.memory_space<hbm>>)
    return
  }
}

</mosaic_0001>

<sc_bundles>
// kernel: kernel.3.cloned.1.call-start
scs
__scs_entry_jumppad:
0x0: {  	(pc) =	sbr.rel $0x88, $3  }
0x1: {  	(tag) =	ssettag $0x0;
	lr =	simm.s32 $0x1  }
0x2: {  	[smem:$0x3F9F] =	sst lr;
	_ =	strace $0xD0000000  }
0x3: {  	_ = 	snop  }
0x4: {  	_ = 	snop  }
0x5: {  	_ = 	snop  }
0x6: {  	_ = 	snop  }
0x7: {  	_ = 	snop  }
__scs_overlays_trampoline_lowered:
0x8: {  	[smem:$0x3FAE] =	sst s0  }
0x9: {  	[smem:$0x3FAF] =	sst s1  }
0xa: {  	[smem:$0x3FB0] =	sst s2  }
0xb: {  	[smem:$0x3FB1] =	sst s3  }
0xc: {  	[smem:$0x3FB2] =	sst s4  }
0xd: {  	[smem:$0x3FB3] =	sst s5  }
0xe: {  	[smem:$0x3FB4] =	sst s6  }
0xf: {  	[smem:$0x3FB5] =	sst s7  }
0x10: {  	[smem:$0x3FB6] =	sst s8  }
0x11: {  	[smem:$0x3FB7] =	sst s9;
	s0 =	simm.s32 @!p0 $0x0  }
0x12: {  	s1 =	sld [smem:$0x3F9D];
	s0 =	simm.s32 @p0 $0x1  }
0x13: {  	[smem:$0x3FB8] =	sst s0;
	s0 =	simm.s32 @!p1 $0x0  }
0x14: {  	s2 =	sld [smem:$0x3F9C];
	s0 =	simm.s32 @p1 $0x1  }
0x15: {  	[smem:$0x3FB9] =	sst s0;
	s0 =	simm.s32 @!p2 $0x0  }
0x16: {  	s3 =	sld [smem:$0x3FDB];
	s0 =	simm.s32 @p2 $0x1  }
0x17: {  	s4 =	simm.s32 $0x1BF5;
	[smem:$0x3FBB] =	sst s0  }
0x18: {  	s0 =	sld [smem:$0x3F9E];
	_ =	swait.ge [sflag:s4], $0x0  }
0x19: {  	s7 =	sld [smem:$0x3F9F]  }
0x1a: {  	s8 =	sadd.s32 $0xFFFFE003, lr  }
0x1b: {  	s9 =	sadd.s32 $0xFFFFFEF7, lr;
	s5 =	simm.s32 $0xFFFFFFFF;
	p2 =	slt.u32 s8, $0xFFFFF086  }
0x1c: {  	p1 =	slt.u32 s9, $0xF7A;
	s5 =	simm.s32 @!p2 $0x0  }
0x1d: {  	s5 =	simm.s32 @p1 $0x1;
	p0 =	seq.s32 s7, s2  }
0x1e: {  	s7 =	smul.u32 @!p0 $0xF7A, s2;
	p2 =	seq.s32 @!p0 s5, $0x0  }
0x1f: {  	s9 =	smul.u32 $0xF7A, s1;
	s8 =	simm.s32 @!p0 $0x1BF5;
	p2 =	por !p2, p0  }
0x20: {  	[sflag:s8] =	ssyncset.s32 @!p0 $0xFFFFF086;
	s6 =	sadd.s32 @!p0 s3, s7;
	s7 =	simm.s32 @!p0 $0x108  }
0x21: {  	s3 =	sadd.s32 s3, s9;
	s6 =	sadd.s32 @!p0 $0x88, s6;
	s7 =	simm.s32 @p2 $0x1082  }
0x22: {  	[simem:s7], [sflag:s8] =	dma.local @!p0 [hbm:s6], $0xF7A  }
0x23: {  	s9 =	sor.u32 $0xD0000000, s2;
	s6 =	simm.s32 $0x108;
	_ =	swait.ge @!p0 [sflag:s8], $0x0  }
0x24: {  	s3 =	sadd.s32 $0x88, s3;
	s6 =	simm.s32 @!p1 $0x1082;
	[sflag:s4] =	ssyncset.s32 $0xFFFFF086  }
0x25: {  	[simem:s6], [sflag:s4] =	dma.local [hbm:s3], $0xF7A  }
0x26: {  	[smem:$0x3F9F] =	sst s1;
	(tag) =	ssettag s2;
	_ =	strace s9  }
0x27: {  	s1 =	sld [smem:$0x3FAF]  }
0x28: {  	s2 =	sld [smem:$0x3FB0]  }
0x29: {  	s4 =	sld [smem:$0x3FB2]  }
0x2a: {  	p0 =	seq.s32 s5, $0x0;
	s5 =	sld [smem:$0x3FB3]  }
0x2b: {  	s6 =	sld [smem:$0x3FB4]  }
0x2c: {  	s7 =	sld [smem:$0x3FB5]  }
0x2d: {  	s3 =	simm.s32 $0x108;
	s8 =	sld [smem:$0x3FB6]  }
0x2e: {  	s3 =	simm.s32 @!p0 $0x1082;
	s9 =	sld [smem:$0x3FB7]  }
0x2f: {  	lr =	sadd.s32 s0, s3;
	s0 =	sld [smem:$0x3FAE]  }
0x30: {  	s3 =	sld [smem:$0x3FB1]  }
0x31: {  	[smem:$0x3FBA] =	sst s10  }
0x32: {  	s10 =	sld [smem:$0x3FB8];
	_ =	sdelay $0x3  }
0x33: {  	p0 =	seq.s32 s10, $0x1;
	s10 =	sld [smem:$0x3FBA];
	_ =	sdelay $0x3  }
0x34: {  	[smem:$0x3FBA] =	sst s10  }
0x35: {  	s10 =	sld [smem:$0x3FB9];
	_ =	sdelay $0x3  }
0x36: {  	p1 =	seq.s32 s10, $0x1;
	s10 =	sld [smem:$0x3FBA];
	_ =	sdelay $0x3  }
0x37: {  	[smem:$0x3FBA] =	sst s10  }
0x38: {  	s10 =	sld [smem:$0x3FBB]  }
0x39: {  	_ = 	snop;
	(pc) =	sbr.ind lr, $3  }
0x3a: {  	_ = 	snop  }
0x3b: {  	_ = 	snop  }
0x3c: {  	p2 =	seq.s32 s10, $0x1;
	s10 =	sld [smem:$0x3FBA]  }
0x3d: {  	_ =	shalt  }
0x3e: {  	_ =	shalt  }
0x3f: {  	_ =	shalt  }
0x40: {  	_ =	shalt  }
0x41: {  	_ =	shalt  }
0x42: {  	_ =	shalt  }
0x43: {  	_ =	shalt  }
0x44: {  	_ =	shalt  }
0x45: {  	_ =	shalt  }
0x46: {  	_ =	shalt  }
0x47: {  	_ =	shalt  }
0x48: {  	_ =	shalt  }
0x49: {  	_ =	shalt  }
0x4a: {  	_ =	shalt  }
0x4b: {  	_ =	shalt  }
0x4c: {  	_ =	shalt  }
0x4d: {  	_ =	shalt  }
0x4e: {  	_ =	shalt  }
0x4f: {  	_ =	shalt  }
0x50: {  	_ =	shalt  }
0x51: {  	_ =	shalt  }
0x52: {  	_ =	shalt  }
0x53: {  	_ =	shalt  }
0x54: {  	_ =	shalt  }
0x55: {  	_ =	shalt  }
0x56: {  	_ =	shalt  }
0x57: {  	_ =	shalt  }
0x58: {  	_ =	shalt  }
0x59: {  	_ =	shalt  }
0x5a: {  	_ =	shalt  }
0x5b: {  	_ =	shalt  }
0x5c: {  	_ =	shalt  }
0x5d: {  	_ =	shalt  }
0x5e: {  	_ =	shalt  }
0x5f: {  	_ =	shalt  }
0x60: {  	_ =	shalt  }
0x61: {  	_ =	shalt  }
0x62: {  	_ =	shalt  }
0x63: {  	_ =	shalt  }
0x64: {  	_ =	shalt  }
0x65: {  	_ =	shalt  }
0x66: {  	_ =	shalt  }
0x67: {  	_ =	shalt  }
0x68: {  	_ =	shalt  }
0x69: {  	_ =	shalt  }
0x6a: {  	_ =	shalt  }
0x6b: {  	_ =	shalt  }
0x6c: {  	_ =	shalt  }
0x6d: {  	_ =	shalt  }
0x6e: {  	_ =	shalt  }
0x6f: {  	_ =	shalt  }
0x70: {  	_ =	shalt  }
0x71: {  	_ =	shalt  }
0x72: {  	_ =	shalt  }
0x73: {  	_ =	shalt  }
0x74: {  	_ =	shalt  }
0x75: {  	_ =	shalt  }
0x76: {  	_ =	shalt  }
0x77: {  	_ =	shalt  }
0x78: {  	_ =	shalt  }
0x79: {  	_ =	shalt  }
0x7a: {  	_ =	shalt  }
0x7b: {  	_ =	shalt  }
0x7c: {  	_ =	shalt  }
0x7d: {  	_ =	shalt  }
0x7e: {  	_ =	shalt  }
0x7f: {  	_ =	shalt  }
0x80: {  	_ =	shalt  }
0x81: {  	_ =	shalt  }
0x82: {  	_ =	shalt  }
0x83: {  	_ =	shalt  }
0x84: {  	_ =	shalt  }
0x85: {  	_ =	shalt  }
0x86: {  	_ =	shalt  }
0x87: {  	_ =	shalt  }
.Lfunc_end0:
.L_simem_size_0:
called_computation.1_lowered:
.L_overlay_start_0:
0x88: {  	s2 =	sld [smem:$0x3FD9]  }
0x89: {  	s3 =	sld [smem:$0x3FFE];
	_ =	sdelay $0x1  }
0x8a: {  	s1 =	srdreg.scid  }
0x8b: {  	s0 =	sand.u32 $0x1, s1  }
0x8c: {  	s17 =	sshll.u32 s0, $0xA;
	s2 =	sadd.s32 s3, s2  }
0x8d: {  	s2 =	sadd.s32 s2, s17  }
0x8e: {  	[smem:$0x3FC6] =	sst s2  }
0x8f: {  	_ = 	snop  }
0x90: {  	s2 =	sld [smem:$0x3FD0];
	(tm) =	ssettm $0x1  }
0x91: {  	s18 =	sld [smem:$0x3FFB];
	_ =	sdelay $0x3  }
0x92: {  	_ =	strace s18  }
0x93: {  	s3 =	sld [smem:$0x3FFC];
	_ =	sdelay $0x3  }
0x94: {  	_ =	strace s3  }
0x95: {  	s3 =	sld [smem:$0x3FFD];
	_ =	sdelay $0x3  }
0x96: {  	_ =	strace s3  }
0x97: {  	_ =	strace $0x8FFFFFFF  }
0x98: {  	s19 =	sld [smem:$0x3FDB];
	_ =	sdelay $0x1  }
0x99: {  	s4 =	simm.s32 $_scs_section_size  }
0x9a: {  	s5 =	simm.s32 $_size__tile_overlayer_lowered;
	s6 =	simm.s32 $_tile_overlayer_lowered  }
0x9b: {  	s22 =	simm.s32 $0x1BFF;
	s21 =	sshll.u32 s6, $0x1;
	s3 =	sadd.s32 s4, s19  }
0x9c: {  	s7 =	simm.s32 $0x0;
	s20 =	sshll.u32 s5, $0x1;
	s5 =	sadd.s32 s21, s3  }
0x9d: {  	[timem:s7], [sflag:s22] =	dma.local [hbm:s5], s20  }
0x9e: {  	_ =	swait.ge [sflag:s22], s20  }
0x9f: {  	s4 =	ssub.s32 $0x0, s20;
	[sflag:s22] =	ssyncset.done $0x0  }
0xa0: {  	[sflag:s22] =	ssyncadd.s32 s4;
	_ =	sdelay $0x1  }
0xa1: {  	s23 =	simm.s32 $0x1B8B  }
0xa2: {  	_ =	swait.ge [sflag:s23], $0x1  }
0xa3: {  	[sflag:s23] =	ssyncset.done $0x0  }
0xa4: {  	s25 =	simm.s32 $0x1B8E;
	s24 =	sld [smem:$0x3FFE];
	[sflag:s23] =	ssyncadd.s32 $0xFFFFFFFF  }
0xa5: {  	s26 =	simm.s32 $execute0_lowered;
	[smem:$0x3FD2] =	sst s25  }
0xa6: {  	s5 =	sshll.u32 s26, $0x1;
	_ =	strace $0x80000046;
	[dreg:$0x1] =	wrdreg $0xFFFFFFFF  }
0xa7: {  	s28 =	simm.s32 $_size_execute0_lowered;
	s3 =	sadd.s32 s3, s5;
	[dreg:$0x0] =	wrdreg $0x0  }
0xa8: {  	s5 =	sshll.u32 s28, $0x1;
	[dreg:$0x2] =	wrdreg s3  }
0xa9: {  	[dreg:$0x3] =	wrdreg s5  }
0xaa: {  	[dreg:$0x4] =	wrdreg $0xC0  }
0xab: {  	_ =	task [dreg:s7], $0x5FFFF  }
0xac: {  	[dreg:$0x1] =	wrdreg $0xFFFFFFFF  }
0xad: {  	[dreg:$0x0] =	wrdreg $0x60  }
0xae: {  	[dreg:$0x2] =	wrdreg s24  }
0xaf: {  	[dreg:$0x3] =	wrdreg s2  }
0xb0: {  	[dreg:$0x4] =	wrdreg $0x9  }
0xb1: {  	_ =	task.clear_ibuf [dreg:s7], $0x5FFFF;
	_ =	strace $0x90000046  }
0xb2: {  	s29 =	simm.s32 $0x9;
	_ =	strace $0x80000048  }
0xb3: {  	_ =	swait.ge [sflag:s29], $0x1  }
0xb4: {  	[sflag:s29] =	ssyncadd.s32 $0xFFFFFFFF  }
0xb5: {  	_ =	strace $0x90000048  }
0xb6: {  	_ =	sfence  }
0xb7: {  	s30 =	sld [smem:$0x0];
	_ =	sdelay $0x2  }
0xb8: {  	s31 =	sshll.u32 s1, $0xD;
	s1 =	sshrl.u32 s1, $0x2  }
0xb9: {  	s3 =	sand.u32 $0x4000, s31;
	s1 =	sadd.s32 s1, s30  }
0xba: {  	s0 =	sor.u32 s3, s0;
	s1 =	sshll.u32 s1, $0x11  }
0xbb: {  	s0 =	sor.u32 s1, s0  }
0xbc: {  	s0 =	sadd.s32 $0x8F2B, s0  }
0xbd: {  	[sflag:s0] =	ssyncadd.remote.s32 $0x1  }
0xbe: {  	_ =	sfence.sel $0xFFFF  }
0xbf: {  	[dreg:$0x0] =	wrdreg $0xFFFFFFFF;
	(pc) =	sbr.abs _section_cstart, $3  }
0xc0: {  	[dreg:$0x1] =	wrdreg $0xFFFFFFFF  }
0xc1: {  	_ =	task.clear_ibuf [dreg:s7], $0x2FFFF;
	_ =	strace $0x9FFFFFFF  }
0xc2: {  	(tm) =	ssettm $0x7FFFFFFF  }
0xc3: {  	_ =	shalt  }
tec
execute0_lowered:
.L_overlay_start_1:
0x0: {  	(tag) =	ssettag $0x1  }
0x1: {  	s0 =	srdreg.scid;
	s3 =	rddreg [dreg:$0x0]  }
0x2: {  	s17 =	stileid.u32;
	s4 =	rddreg [dreg:$0x1]  }
0x3: {  	s2 =	simm.s32 $0x0;
	s0 =	sand.u32 $0x1, s0;
	s1 =	sshll.u32 s17, $0x1  }
0x4: {  	s31 =	simm.s32 $0x9;
	s25 =	simm.s32 $0x680;
	s1 =	sor.u32 s0, s1  }
0x5: {  	s26 =	simm.s32 $0x9C0;
	s8 =	simm.s32 $0x16C00;
	s5 =	smul.u32 $0x680, s1  }
0x6: {  	s30 =	simm.s32 $0x1040;
	[smem:$0x7FF] =	sst s2;
	s6 =	smul.u32 $0xD000, s1  }
0x7: {  	_ =	strace $0x80000047;
	[dreg:$0x13] =	wrdreg s25;
	s1 =	smul.u32 $0x68000, s1  }
0x8: {  	s29 =	simm.s32 $0x1380;
	[dreg:$0x14] =	wrdreg s26;
	s5 =	sadd.s32 s5, s3  }
0x9: {  	s21 =	sadd.s32 s4, s6;
	s1 =	sshrl.u32 s1, $0x3;
	s5 =	sadd.s32 $0xA00, s5  }
0xa: {  	s9 =	sadd.s32 $0xD00, s21;
	s1 =	sadd.s32 s4, s1;
	[dreg:$0x3] =	wrdreg s5  }
0xb: {  	s7 =	simm.s32 $0x8;
	[dreg:$0x4] =	wrdreg s9;
	s4 =	sadd.s32 $0x1A00, s1  }
0xc: {  	s28 =	simm.s32 $0x16C0;
	s10 =	sadd.s32 $0x2700, s1;
	[dreg:$0x5] =	wrdreg s4  }
0xd: {  	p0 =	por $0x0, $0x0;
	s11 =	sadd.s32 $0x3400, s1;
	[dreg:$0x6] =	wrdreg s10  }
0xe: {  	s0 =	ssub.s32 $0x2, s0;
	s12 =	sadd.s32 $0x4100, s1;
	[dreg:$0x7] =	wrdreg s11  }
0xf: {  	s26 =	simm.s32 $0x1A00;
	s13 =	sadd.s32 $0x4E00, s1;
	[dreg:$0x8] =	wrdreg s12  }
0x10: {  	s25 =	simm.s32 $0x1D40;
	s14 =	sadd.s32 $0x5B00, s1;
	[dreg:$0x9] =	wrdreg s13  }
0x11: {  	s23 =	sshrl.u32 s0, $0x1;
	s15 =	sadd.s32 $0x6800, s1;
	[dreg:$0xa] =	wrdreg s14  }
0x12: {  	s0 =	ssub.s32 s0, s23;
	s16 =	sadd.s32 $0x7500, s1;
	[dreg:$0xb] =	wrdreg s15  }
0x13: {  	s23 =	simm.s32 $0x23C0;
	s18 =	sadd.s32 $0x8200, s1;
	[dreg:$0xc] =	wrdreg s16  }
0x14: {  	s3 =	sadd.s32 $0xF42E00, s3;
	s19 =	sadd.s32 $0x8F00, s1;
	[dreg:$0xd] =	wrdreg s18  }
0x15: {  	s0 =	smax.u32 s0, $0x1;
	s20 =	sadd.s32 $0x9C00, s1;
	[dreg:$0xe] =	wrdreg s19  }
0x16: {  	s6 =	simm.s32 $0x7;
	s22 =	sadd.s32 $0xA900, s1;
	[dreg:$0xf] =	wrdreg s20  }
0x17: {  	p1 =	sne.s32 s0, $0x1;
	s24 =	sadd.s32 $0xB600, s1;
	[dreg:$0x10] =	wrdreg s22  }
0x18: {  	s1 =	sadd.s32 $0xC300, s1;
	s9 =	simm.s32 $0x10400;
	[dreg:$0x11] =	wrdreg s24  }
0x19: {  	s5 =	simm.s32 $0x6;
	[dreg:$0x12] =	wrdreg s1;
	s13 =	simm.s32 $0x340  }
.Ltmp0:
0x1a: {  	s11 =	simm.s32 $0x3400;
	s10 =	simm.s32 $0x9C00;
	(pc) =	sbr.rel @!p1 .LBB2_1-.Ltmp0, $4  }
0x1b: {  	s16 =	simm.s32 $0x1;
	s4 =	simm.s32 $0x5;
	s15 =	simm.s32 $0x2  }
0x1c: {  	s14 =	simm.s32 $0x3;
	s12 =	simm.s32 $0x4;
	s1 =	sadd.s32 $0xFFFFFFFF, s0  }
0x1d: {  	s24 =	simm.s32 $0x2080;
	s22 =	simm.s32 $0x2700;
	s20 =	simm.s32 $0x2A40  }
0x1e: {  	s19 =	simm.s32 $0x2D80;
	s18 =	simm.s32 $0x30C0;
	s0 =	rddreg [dreg:$0x3]  }
0x1f: {  	[tilespmem:s2], [sflag:$0x9] =	stream.linear.gather [hbm4b:s0+s2], $0x3400, $0x38;
	[tilespmem:$0x1D400] =	vst v63  }
0x20: {  	_ =	swait.ge [sflag:s31], $0x3400  }
0x21: {  	[sflag:s31] =	ssyncset.done $0x0  }
0x22: {  	[sflag:s31] =	ssyncadd.s32 $0xFFFFCC00  }
0x23: {  	[tilespmem:s11], [sflag:$0x1] =	stream.indirect.gather [hbm4b:s3+s13], $0x20, s2, s13, $0xb8;
	[tilespmem:$0x1D400] =	vst v63  }
0x24: {  	_ = 	snop  }
0x25: {  	[tilespmem:s10], [sflag:$0x2] =	stream.indirect.gather [hbm4b:s3+s13], $0x20, s13, s13, $0xb8;
	[tilespmem:$0x1D400] =	vst v63  }
0x26: {  	s0 =	rddreg [dreg:$0x13]  }
0x27: {  	[tilespmem:s9], [sflag:$0x3] =	stream.indirect.gather [hbm4b:s3+s13], $0x20, s0, s13, $0xb8;
	[tilespmem:$0x1D400] =	vst v63  }
0x28: {  	s17 =	smov.u32 s1;
	s1 =	rddreg [dreg:$0x14]  }
0x29: {  	[tilespmem:s8], [sflag:$0x4] =	stream.indirect.gather [hbm4b:s3+s13], $0x20, s1, s13, $0xb8;
	[tilespmem:$0x1D400] =	vst v63  }
0x2a: {  	_ =	swait.ge [sflag:s16], $0x6800  }
0x2b: {  	[sflag:s16] =	ssyncset.done $0x0  }
0x2c: {  	[sflag:s16] =	ssyncadd.s32 $0xFFFF9800  }
0x2d: {  	[hbm4b:s21+s2] =	stream.linear.scatter [tilespmem:s11], [sflag:$0x5], $0x6800, $0x38;
	[tilespmem:$0x1D400] =	vst v63  }
0x2e: {  	_ =	swait.ge [sflag:s4], $0x6800  }
0x2f: {  	[sflag:s4] =	ssyncset.done $0x0  }
0x30: {  	s1 =	simm.s32 $0xD00;
	[sflag:s4] =	ssyncadd.s32 $0xFFFF9800  }
0x31: {  	[tilespmem:s11], [sflag:$0x1] =	stream.indirect.gather [hbm4b:s3+s13], $0x20, s1, s13, $0xb8;
	[tilespmem:$0x1D400] =	vst v63  }
0x32: {  	_ =	swait.ge [sflag:s15], $0x6800  }
0x33: {  	[sflag:s15] =	ssyncset.done $0x0  }
0x34: {  	s1 =	rddreg [dreg:$0x4];
	[sflag:s15] =	ssyncadd.s32 $0xFFFF9800  }
0x35: {  	[hbm4b:s1+s2] =	stream.linear.scatter [tilespmem:s10], [sflag:$0x6], $0x6800, $0x38;
	[tilespmem:$0x1D400] =	vst v63  }
0x36: {  	_ =	swait.ge [sflag:s5], $0x6800  }
0x37: {  	[sflag:s5] =	ssyncset.done $0x0  }
0x38: {  	[sflag:s5] =	ssyncadd.s32 $0xFFFF9800  }
0x39: {  	[tilespmem:s10], [sflag:$0x2] =	stream.indirect.gather [hbm4b:s3+s13], $0x20, s30, s13, $0xb8;
	[tilespmem:$0x1D400] =	vst v63  }
0x3a: {  	_ =	swait.ge [sflag:s14], $0x6800  }
0x3b: {  	[sflag:s14] =	ssyncset.done $0x0  }
0x3c: {  	s1 =	rddreg [dreg:$0x5];
	[sflag:s14] =	ssyncadd.s32 $0xFFFF9800  }
0x3d: {  	[hbm4b:s1+s2] =	stream.linear.scatter [tilespmem:s9], [sflag:$0x7], $0x6800, $0x38;
	[tilespmem:$0x1D400] =	vst v63  }
0x3e: {  	_ =	swait.ge [sflag:s6], $0x6800  }
0x3f: {  	[sflag:s6] =	ssyncset.done $0x0  }
0x40: {  	[sflag:s6] =	ssyncadd.s32 $0xFFFF9800  }
0x41: {  	[tilespmem:s9], [sflag:$0x3] =	stream.indirect.gather [hbm4b:s3+s13], $0x20, s29, s13, $0xb8;
	[tilespmem:$0x1D400] =	vst v63  }
0x42: {  	_ =	swait.ge [sflag:s12], $0x6800  }
0x43: {  	[sflag:s12] =	ssyncset.done $0x0  }
0x44: {  	s1 =	rddreg [dreg:$0x6];
	[sflag:s12] =	ssyncadd.s32 $0xFFFF9800  }
0x45: {  	[hbm4b:s1+s2] =	stream.linear.scatter [tilespmem:s8], [sflag:$0x8], $0x6800, $0x38;
	[tilespmem:$0x1D400] =	vst v63  }
0x46: {  	_ =	swait.ge [sflag:s7], $0x6800  }
0x47: {  	[sflag:s7] =	ssyncset.done $0x0  }
0x48: {  	[sflag:s7] =	ssyncadd.s32 $0xFFFF9800  }
0x49: {  	[tilespmem:s8], [sflag:$0x4] =	stream.indirect.gather [hbm4b:s3+s13], $0x20, s28, s13, $0xb8;
	[tilespmem:$0x1D400] =	vst v63  }
0x4a: {  	_ =	swait.ge [sflag:s16], $0x6800  }
0x4b: {  	[sflag:s16] =	ssyncset.done $0x0  }
0x4c: {  	s1 =	rddreg [dreg:$0x7];
	[sflag:s16] =	ssyncadd.s32 $0xFFFF9800  }
0x4d: {  	[hbm4b:s1+s2] =	stream.linear.scatter [tilespmem:s11], [sflag:$0x5], $0x6800, $0x38;
	[tilespmem:$0x1D400] =	vst v63  }
0x4e: {  	_ =	swait.ge [sflag:s4], $0x6800  }
0x4f: {  	[sflag:s4] =	ssyncset.done $0x0  }
0x50: {  	[sflag:s4] =	ssyncadd.s32 $0xFFFF9800  }
0x51: {  	[tilespmem:s11], [sflag:$0x1] =	stream.indirect.gather [hbm4b:s3+s13], $0x20, s26, s13, $0xb8;
	[tilespmem:$0x1D400] =	vst v63  }
0x52: {  	_ =	swait.ge [sflag:s15], $0x6800  }
0x53: {  	[sflag:s15] =	ssyncset.done $0x0  }
0x54: {  	s1 =	rddreg [dreg:$0x8];
	[sflag:s15] =	ssyncadd.s32 $0xFFFF9800  }
0x55: {  	[hbm4b:s1+s2] =	stream.linear.scatter [tilespmem:s10], [sflag:$0x6], $0x6800, $0x38;
	[tilespmem:$0x1D400] =	vst v63  }
0x56: {  	_ =	swait.ge [sflag:s5], $0x6800  }
0x57: {  	[sflag:s5] =	ssyncset.done $0x0  }
0x58: {  	[sflag:s5] =	ssyncadd.s32 $0xFFFF9800  }
0x59: {  	[tilespmem:s10], [sflag:$0x2] =	stream.indirect.gather [hbm4b:s3+s13], $0x20, s25, s13, $0xb8;
	[tilespmem:$0x1D400] =	vst v63  }
0x5a: {  	_ =	swait.ge [sflag:s14], $0x6800  }
0x5b: {  	[sflag:s14] =	ssyncset.done $0x0  }
0x5c: {  	s1 =	rddreg [dreg:$0x9];
	[sflag:s14] =	ssyncadd.s32 $0xFFFF9800  }
0x5d: {  	[hbm4b:s1+s2] =	stream.linear.scatter [tilespmem:s9], [sflag:$0x7], $0x6800, $0x38;
	[tilespmem:$0x1D400] =	vst v63  }
0x5e: {  	_ =	swait.ge [sflag:s6], $0x6800  }
0x5f: {  	[sflag:s6] =	ssyncset.done $0x0  }
0x60: {  	[sflag:s6] =	ssyncadd.s32 $0xFFFF9800  }
0x61: {  	[tilespmem:s9], [sflag:$0x3] =	stream.indirect.gather [hbm4b:s3+s13], $0x20, s24, s13, $0xb8;
	[tilespmem:$0x1D400] =	vst v63  }
0x62: {  	_ =	swait.ge [sflag:s12], $0x6800  }
0x63: {  	[sflag:s12] =	ssyncset.done $0x0  }
0x64: {  	s1 =	rddreg [dreg:$0xa];
	[sflag:s12] =	ssyncadd.s32 $0xFFFF9800  }
0x65: {  	[hbm4b:s1+s2] =	stream.linear.scatter [tilespmem:s8], [sflag:$0x8], $0x6800, $0x38;
	[tilespmem:$0x1D400] =	vst v63  }
0x66: {  	_ =	swait.ge [sflag:s7], $0x6800  }
0x67: {  	[sflag:s7] =	ssyncset.done $0x0  }
0x68: {  	[sflag:s7] =	ssyncadd.s32 $0xFFFF9800  }
0x69: {  	[tilespmem:s8], [sflag:$0x4] =	stream.indirect.gather [hbm4b:s3+s13], $0x20, s23, s13, $0xb8;
	[tilespmem:$0x1D400] =	vst v63  }
0x6a: {  	_ =	swait.ge [sflag:s16], $0x6800  }
0x6b: {  	[sflag:s16] =	ssyncset.done $0x0  }
0x6c: {  	s1 =	rddreg [dreg:$0xb];
	[sflag:s16] =	ssyncadd.s32 $0xFFFF9800  }
0x6d: {  	[hbm4b:s1+s2] =	stream.linear.scatter [tilespmem:s11], [sflag:$0x5], $0x6800, $0x38;
	[tilespmem:$0x1D400] =	vst v63  }
0x6e: {  	_ =	swait.ge [sflag:s4], $0x6800  }
0x6f: {  	[sflag:s4] =	ssyncset.done $0x0  }
0x70: {  	[sflag:s4] =	ssyncadd.s32 $0xFFFF9800  }
0x71: {  	[tilespmem:s11], [sflag:$0x1] =	stream.indirect.gather [hbm4b:s3+s13], $0x20, s22, s13, $0xb8;
	[tilespmem:$0x1D400] =	vst v63  }
0x72: {  	_ =	swait.ge [sflag:s15], $0x6800  }
0x73: {  	[sflag:s15] =	ssyncset.done $0x0  }
0x74: {  	s1 =	rddreg [dreg:$0xc];
	[sflag:s15] =	ssyncadd.s32 $0xFFFF9800  }
0x75: {  	[hbm4b:s1+s2] =	stream.linear.scatter [tilespmem:s10], [sflag:$0x6], $0x6800, $0x38;
	[tilespmem:$0x1D400] =	vst v63  }
0x76: {  	_ =	swait.ge [sflag:s5], $0x6800  }
0x77: {  	[sflag:s5] =	ssyncset.done $0x0  }
0x78: {  	[sflag:s5] =	ssyncadd.s32 $0xFFFF9800  }
0x79: {  	[tilespmem:s10], [sflag:$0x2] =	stream.indirect.gather [hbm4b:s3+s13], $0x20, s20, s13, $0xb8;
	[tilespmem:$0x1D400] =	vst v63  }
0x7a: {  	_ =	swait.ge [sflag:s14], $0x6800  }
0x7b: {  	[sflag:s14] =	ssyncset.done $0x0  }
0x7c: {  	s1 =	rddreg [dreg:$0xd];
	[sflag:s14] =	ssyncadd.s32 $0xFFFF9800  }
0x7d: {  	[hbm4b:s1+s2] =	stream.linear.scatter [tilespmem:s9], [sflag:$0x7], $0x6800, $0x38;
	[tilespmem:$0x1D400] =	vst v63  }
0x7e: {  	_ =	swait.ge [sflag:s6], $0x6800  }
0x7f: {  	[sflag:s6] =	ssyncset.done $0x0  }
0x80: {  	[sflag:s6] =	ssyncadd.s32 $0xFFFF9800  }
0x81: {  	[tilespmem:s9], [sflag:$0x3] =	stream.indirect.gather [hbm4b:s3+s13], $0x20, s19, s13, $0xb8;
	[tilespmem:$0x1D400] =	vst v63  }
0x82: {  	_ =	swait.ge [sflag:s12], $0x6800  }
0x83: {  	[sflag:s12] =	ssyncset.done $0x0  }
0x84: {  	s1 =	rddreg [dreg:$0xe];
	[sflag:s12] =	ssyncadd.s32 $0xFFFF9800  }
0x85: {  	[hbm4b:s1+s2] =	stream.linear.scatter [tilespmem:s8], [sflag:$0x8], $0x6800, $0x38;
	[tilespmem:$0x1D400] =	vst v63  }
0x86: {  	_ =	swait.ge [sflag:s7], $0x6800  }
0x87: {  	[sflag:s7] =	ssyncset.done $0x0  }
0x88: {  	[sflag:s7] =	ssyncadd.s32 $0xFFFF9800  }
0x89: {  	[tilespmem:s8], [sflag:$0x4] =	stream.indirect.gather [hbm4b:s3+s13], $0x20, s18, s13, $0xb8;
	[tilespmem:$0x1D400] =	vst v63  }
0x8a: {  	_ =	swait.ge [sflag:s16], $0x6800  }
0x8b: {  	[sflag:s16] =	ssyncset.done $0x0  }
0x8c: {  	s1 =	rddreg [dreg:$0xf];
	[sflag:s16] =	ssyncadd.s32 $0xFFFF9800  }
0x8d: {  	[hbm4b:s1+s2] =	stream.linear.scatter [tilespmem:s11], [sflag:$0x5], $0x6800, $0x38;
	[tilespmem:$0x1D400] =	vst v63  }
0x8e: {  	_ =	swait.ge [sflag:s15], $0x6800  }
0x8f: {  	[sflag:s15] =	ssyncset.done $0x0  }
0x90: {  	s1 =	rddreg [dreg:$0x10];
	[sflag:s15] =	ssyncadd.s32 $0xFFFF9800  }
0x91: {  	[hbm4b:s1+s2] =	stream.linear.scatter [tilespmem:s10], [sflag:$0x6], $0x6800, $0x38;
	[tilespmem:$0x1D400] =	vst v63  }
0x92: {  	_ =	swait.ge [sflag:s14], $0x6800  }
0x93: {  	[sflag:s14] =	ssyncset.done $0x0  }
0x94: {  	s1 =	rddreg [dreg:$0x11];
	[sflag:s14] =	ssyncadd.s32 $0xFFFF9800  }
0x95: {  	[hbm4b:s1+s2] =	stream.linear.scatter [tilespmem:s9], [sflag:$0x7], $0x6800, $0x38;
	[tilespmem:$0x1D400] =	vst v63  }
0x96: {  	_ =	swait.ge [sflag:s12], $0x6800  }
0x97: {  	[sflag:s12] =	ssyncset.done $0x0  }
0x98: {  	s1 =	rddreg [dreg:$0x12];
	[sflag:s12] =	ssyncadd.s32 $0xFFFF9800  }
0x99: {  	[hbm4b:s1+s2] =	stream.linear.scatter [tilespmem:s8], [sflag:$0x8], $0x6800, $0x38;
	[tilespmem:$0x1D400] =	vst v63  }
0x9a: {  	_ =	swait.ge [sflag:s4], $0x6800  }
0x9b: {  	[sflag:s4] =	ssyncset.done $0x0  }
0x9c: {  	[sflag:s4] =	ssyncadd.s32 $0xFFFF9800  }
0x9d: {  	_ =	swait.ge [sflag:s5], $0x6800  }
0x9e: {  	[sflag:s5] =	ssyncset.done $0x0  }
0x9f: {  	p1 =	sne.s32 s17, $0x1;
	[sflag:s5] =	ssyncadd.s32 $0xFFFF9800  }
.Ltmp1:
0xa0: {  	_ =	swait.ge [sflag:s6], $0x6800;
	(pc) =	sbr.rel @!p1 .LBB2_3-.Ltmp1, $4  }
0xa1: {  	[sflag:s6] =	ssyncset.done $0x0  }
0xa2: {  	[sflag:s6] =	ssyncadd.s32 $0xFFFF9800  }
0xa3: {  	p0 =	por $0x1, $0x1;
	_ =	swait.ge [sflag:s7], $0x6800  }
0xa4: {  	s1 =	sadd.s32 $0xFFFFFFFF, s17;
	s0 =	rddreg [dreg:$0x3];
	[sflag:s7] =	ssyncset.done $0x0  }
.LBB2_4:
0xa5: {  	[sflag:s7] =	ssyncadd.s32 $0xFFFF9800  }
0xa6: {  	[tilespmem:s2], [sflag:$0x9] =	stream.linear.gather [hbm4b:s0+s2], $0x3400, $0x38;
	[tilespmem:$0x1D400] =	vst v63  }
0xa7: {  	_ =	swait.ge [sflag:s31], $0x3400  }
0xa8: {  	[sflag:s31] =	ssyncset.done $0x0  }
0xa9: {  	[sflag:s31] =	ssyncadd.s32 $0xFFFFCC00  }
0xaa: {  	[tilespmem:s11], [sflag:$0x1] =	stream.indirect.gather [hbm4b:s3+s13], $0x20, s2, s13, $0xb8;
	[tilespmem:$0x1D400] =	vst v63  }
0xab: {  	_ = 	snop  }
0xac: {  	[tilespmem:s10], [sflag:$0x2] =	stream.indirect.gather [hbm4b:s3+s13], $0x20, s13, s13, $0xb8;
	[tilespmem:$0x1D400] =	vst v63  }
0xad: {  	s0 =	rddreg [dreg:$0x13]  }
0xae: {  	[tilespmem:s9], [sflag:$0x3] =	stream.indirect.gather [hbm4b:s3+s13], $0x20, s0, s13, $0xb8;
	[tilespmem:$0x1D400] =	vst v63  }
0xaf: {  	s17 =	rddreg [dreg:$0x14]  }
0xb0: {  	[tilespmem:s8], [sflag:$0x4] =	stream.indirect.gather [hbm4b:s3+s13], $0x20, s17, s13, $0xb8;
	[tilespmem:$0x1D400] =	vst v63  }
0xb1: {  	_ =	swait.ge [sflag:s16], $0x6800  }
0xb2: {  	[sflag:s16] =	ssyncset.done $0x0  }
0xb3: {  	[sflag:s16] =	ssyncadd.s32 $0xFFFF9800  }
0xb4: {  	[hbm4b:s21+s2] =	stream.linear.scatter [tilespmem:s11], [sflag:$0x5], $0x6800, $0x38;
	[tilespmem:$0x1D400] =	vst v63  }
0xb5: {  	_ =	swait.ge [sflag:s4], $0x6800  }
0xb6: {  	[sflag:s4] =	ssyncset.done $0x0  }
0xb7: {  	s17 =	simm.s32 $0xD00;
	[sflag:s4] =	ssyncadd.s32 $0xFFFF9800  }
0xb8: {  	[tilespmem:s11], [sflag:$0x1] =	stream.indirect.gather [hbm4b:s3+s13], $0x20, s17, s13, $0xb8;
	[tilespmem:$0x1D400] =	vst v63  }
0xb9: {  	_ =	swait.ge [sflag:s15], $0x6800  }
0xba: {  	[sflag:s15] =	ssyncset.done $0x0  }
0xbb: {  	s17 =	rddreg [dreg:$0x4];
	[sflag:s15] =	ssyncadd.s32 $0xFFFF9800  }
0xbc: {  	[hbm4b:s17+s2] =	stream.linear.scatter [tilespmem:s10], [sflag:$0x6], $0x6800, $0x38;
	[tilespmem:$0x1D400] =	vst v63  }
0xbd: {  	_ =	swait.ge [sflag:s5], $0x6800  }
0xbe: {  	[sflag:s5] =	ssyncset.done $0x0  }
0xbf: {  	[sflag:s5] =	ssyncadd.s32 $0xFFFF9800  }
0xc0: {  	[tilespmem:s10], [sflag:$0x2] =	stream.indirect.gather [hbm4b:s3+s13], $0x20, s30, s13, $0xb8;
	[tilespmem:$0x1D400] =	vst v63  }
0xc1: {  	_ =	swait.ge [sflag:s14], $0x6800  }
0xc2: {  	[sflag:s14] =	ssyncset.done $0x0  }
0xc3: {  	s17 =	rddreg [dreg:$0x5];
	[sflag:s14] =	ssyncadd.s32 $0xFFFF9800  }
0xc4: {  	[hbm4b:s17+s2] =	stream.linear.scatter [tilespmem:s9], [sflag:$0x7], $0x6800, $0x38;
	[tilespmem:$0x1D400] =	vst v63  }
0xc5: {  	_ =	swait.ge [sflag:s6], $0x6800  }
0xc6: {  	[sflag:s6] =	ssyncset.done $0x0  }
0xc7: {  	[sflag:s6] =	ssyncadd.s32 $0xFFFF9800  }
0xc8: {  	[tilespmem:s9], [sflag:$0x3] =	stream.indirect.gather [hbm4b:s3+s13], $0x20, s29, s13, $0xb8;
	[tilespmem:$0x1D400] =	vst v63  }
0xc9: {  	_ =	swait.ge [sflag:s12], $0x6800  }
0xca: {  	[sflag:s12] =	ssyncset.done $0x0  }
0xcb: {  	s17 =	rddreg [dreg:$0x6];
	[sflag:s12] =	ssyncadd.s32 $0xFFFF9800  }
0xcc: {  	[hbm4b:s17+s2] =	stream.linear.scatter [tilespmem:s8], [sflag:$0x8], $0x6800, $0x38;
	[tilespmem:$0x1D400] =	vst v63  }
0xcd: {  	_ =	swait.ge [sflag:s7], $0x6800  }
0xce: {  	[sflag:s7] =	ssyncset.done $0x0  }
0xcf: {  	[sflag:s7] =	ssyncadd.s32 $0xFFFF9800  }
0xd0: {  	[tilespmem:s8], [sflag:$0x4] =	stream.indirect.gather [hbm4b:s3+s13], $0x20, s28, s13, $0xb8;
	[tilespmem:$0x1D400] =	vst v63  }
0xd1: {  	_ =	swait.ge [sflag:s16], $0x6800  }
0xd2: {  	[sflag:s16] =	ssyncset.done $0x0  }
0xd3: {  	s17 =	rddreg [dreg:$0x7];
	[sflag:s16] =	ssyncadd.s32 $0xFFFF9800  }
0xd4: {  	[hbm4b:s17+s2] =	stream.linear.scatter [tilespmem:s11], [sflag:$0x5], $0x6800, $0x38;
	[tilespmem:$0x1D400] =	vst v63  }
0xd5: {  	_ =	swait.ge [sflag:s4], $0x6800  }
0xd6: {  	[sflag:s4] =	ssyncset.done $0x0  }
0xd7: {  	[sflag:s4] =	ssyncadd.s32 $0xFFFF9800  }
0xd8: {  	[tilespmem:s11], [sflag:$0x1] =	stream.indirect.gather [hbm4b:s3+s13], $0x20, s26, s13, $0xb8;
	[tilespmem:$0x1D400] =	vst v63  }
0xd9: {  	_ =	swait.ge [sflag:s15], $0x6800  }
0xda: {  	[sflag:s15] =	ssyncset.done $0x0  }
0xdb: {  	s17 =	rddreg [dreg:$0x8];
	[sflag:s15] =	ssyncadd.s32 $0xFFFF9800  }
0xdc: {  	[hbm4b:s17+s2] =	stream.linear.scatter [tilespmem:s10], [sflag:$0x6], $0x6800, $0x38;
	[tilespmem:$0x1D400] =	vst v63  }
0xdd: {  	_ =	swait.ge [sflag:s5], $0x6800  }
0xde: {  	[sflag:s5] =	ssyncset.done $0x0  }
0xdf: {  	[sflag:s5] =	ssyncadd.s32 $0xFFFF9800  }
0xe0: {  	[tilespmem:s10], [sflag:$0x2] =	stream.indirect.gather [hbm4b:s3+s13], $0x20, s25, s13, $0xb8;
	[tilespmem:$0x1D400] =	vst v63  }
0xe1: {  	_ =	swait.ge [sflag:s14], $0x6800  }
0xe2: {  	[sflag:s14] =	ssyncset.done $0x0  }
0xe3: {  	s17 =	rddreg [dreg:$0x9];
	[sflag:s14] =	ssyncadd.s32 $0xFFFF9800  }
0xe4: {  	[hbm4b:s17+s2] =	stream.linear.scatter [tilespmem:s9], [sflag:$0x7], $0x6800, $0x38;
	[tilespmem:$0x1D400] =	vst v63  }
0xe5: {  	_ =	swait.ge [sflag:s6], $0x6800  }
0xe6: {  	[sflag:s6] =	ssyncset.done $0x0  }
0xe7: {  	[sflag:s6] =	ssyncadd.s32 $0xFFFF9800  }
0xe8: {  	[tilespmem:s9], [sflag:$0x3] =	stream.indirect.gather [hbm4b:s3+s13], $0x20, s24, s13, $0xb8;
	[tilespmem:$0x1D400] =	vst v63  }
0xe9: {  	_ =	swait.ge [sflag:s12], $0x6800  }
0xea: {  	[sflag:s12] =	ssyncset.done $0x0  }
0xeb: {  	s17 =	rddreg [dreg:$0xa];
	[sflag:s12] =	ssyncadd.s32 $0xFFFF9800  }
0xec: {  	[hbm4b:s17+s2] =	stream.linear.scatter [tilespmem:s8], [sflag:$0x8], $0x6800, $0x38;
	[tilespmem:$0x1D400] =	vst v63  }
0xed: {  	_ =	swait.ge [sflag:s7], $0x6800  }
0xee: {  	[sflag:s7] =	ssyncset.done $0x0  }
0xef: {  	[sflag:s7] =	ssyncadd.s32 $0xFFFF9800  }
0xf0: {  	[tilespmem:s8], [sflag:$0x4] =	stream.indirect.gather [hbm4b:s3+s13], $0x20, s23, s13, $0xb8;
	[tilespmem:$0x1D400] =	vst v63  }
0xf1: {  	_ =	swait.ge [sflag:s16], $0x6800  }
0xf2: {  	[sflag:s16] =	ssyncset.done $0x0  }
0xf3: {  	s17 =	rddreg [dreg:$0xb];
	[sflag:s16] =	ssyncadd.s32 $0xFFFF9800  }
0xf4: {  	[hbm4b:s17+s2] =	stream.linear.scatter [tilespmem:s11], [sflag:$0x5], $0x6800, $0x38;
	[tilespmem:$0x1D400] =	vst v63  }
0xf5: {  	_ =	swait.ge [sflag:s4], $0x6800  }
0xf6: {  	[sflag:s4] =	ssyncset.done $0x0  }
0xf7: {  	[sflag:s4] =	ssyncadd.s32 $0xFFFF9800  }
0xf8: {  	[tilespmem:s11], [sflag:$0x1] =	stream.indirect.gather [hbm4b:s3+s13], $0x20, s22, s13, $0xb8;
	[tilespmem:$0x1D400] =	vst v63  }
0xf9: {  	_ =	swait.ge [sflag:s15], $0x6800  }
0xfa: {  	[sflag:s15] =	ssyncset.done $0x0  }
0xfb: {  	s17 =	rddreg [dreg:$0xc];
	[sflag:s15] =	ssyncadd.s32 $0xFFFF9800  }
0xfc: {  	[hbm4b:s17+s2] =	stream.linear.scatter [tilespmem:s10], [sflag:$0x6], $0x6800, $0x38;
	[tilespmem:$0x1D400] =	vst v63  }
0xfd: {  	_ =	swait.ge [sflag:s5], $0x6800  }
0xfe: {  	[sflag:s5] =	ssyncset.done $0x0  }
0xff: {  	[sflag:s5] =	ssyncadd.s32 $0xFFFF9800  }
0x100: {  	[tilespmem:s10], [sflag:$0x2] =	stream.indirect.gather [hbm4b:s3+s13], $0x20, s20, s13, $0xb8;
	[tilespmem:$0x1D400] =	vst v63  }
0x101: {  	_ =	swait.ge [sflag:s14], $0x6800  }
0x102: {  	[sflag:s14] =	ssyncset.done $0x0  }
0x103: {  	s17 =	rddreg [dreg:$0xd];
	[sflag:s14] =	ssyncadd.s32 $0xFFFF9800  }
0x104: {  	[hbm4b:s17+s2] =	stream.linear.scatter [tilespmem:s9], [sflag:$0x7], $0x6800, $0x38;
	[tilespmem:$0x1D400] =	vst v63  }
0x105: {  	_ =	swait.ge [sflag:s6], $0x6800  }
0x106: {  	[sflag:s6] =	ssyncset.done $0x0  }
0x107: {  	[sflag:s6] =	ssyncadd.s32 $0xFFFF9800  }
0x108: {  	[tilespmem:s9], [sflag:$0x3] =	stream.indirect.gather [hbm4b:s3+s13], $0x20, s19, s13, $0xb8;
	[tilespmem:$0x1D400] =	vst v63  }
0x109: {  	_ =	swait.ge [sflag:s12], $0x6800  }
0x10a: {  	[sflag:s12] =	ssyncset.done $0x0  }
0x10b: {  	s17 =	rddreg [dreg:$0xe];
	[sflag:s12] =	ssyncadd.s32 $0xFFFF9800  }
0x10c: {  	[hbm4b:s17+s2] =	stream.linear.scatter [tilespmem:s8], [sflag:$0x8], $0x6800, $0x38;
	[tilespmem:$0x1D400] =	vst v63  }
0x10d: {  	_ =	swait.ge [sflag:s7], $0x6800  }
0x10e: {  	[sflag:s7] =	ssyncset.done $0x0  }
0x10f: {  	[sflag:s7] =	ssyncadd.s32 $0xFFFF9800  }
0x110: {  	[tilespmem:s8], [sflag:$0x4] =	stream.indirect.gather [hbm4b:s3+s13], $0x20, s18, s13, $0xb8;
	[tilespmem:$0x1D400] =	vst v63  }
0x111: {  	_ =	swait.ge [sflag:s16], $0x6800  }
0x112: {  	[sflag:s16] =	ssyncset.done $0x0  }
0x113: {  	s17 =	rddreg [dreg:$0xf];
	[sflag:s16] =	ssyncadd.s32 $0xFFFF9800  }
0x114: {  	[hbm4b:s17+s2] =	stream.linear.scatter [tilespmem:s11], [sflag:$0x5], $0x6800, $0x38;
	[tilespmem:$0x1D400] =	vst v63  }
0x115: {  	_ =	swait.ge [sflag:s15], $0x6800  }
0x116: {  	[sflag:s15] =	ssyncset.done $0x0  }
0x117: {  	s17 =	rddreg [dreg:$0x10];
	[sflag:s15] =	ssyncadd.s32 $0xFFFF9800  }
0x118: {  	[hbm4b:s17+s2] =	stream.linear.scatter [tilespmem:s10], [sflag:$0x6], $0x6800, $0x38;
	[tilespmem:$0x1D400] =	vst v63  }
0x119: {  	_ =	swait.ge [sflag:s14], $0x6800  }
0x11a: {  	[sflag:s14] =	ssyncset.done $0x0  }
0x11b: {  	s17 =	rddreg [dreg:$0x11];
	[sflag:s14] =	ssyncadd.s32 $0xFFFF9800  }
0x11c: {  	[hbm4b:s17+s2] =	stream.linear.scatter [tilespmem:s9], [sflag:$0x7], $0x6800, $0x38;
	[tilespmem:$0x1D400] =	vst v63  }
0x11d: {  	_ =	swait.ge [sflag:s12], $0x6800  }
0x11e: {  	[sflag:s12] =	ssyncset.done $0x0  }
0x11f: {  	s17 =	rddreg [dreg:$0x12];
	[sflag:s12] =	ssyncadd.s32 $0xFFFF9800  }
0x120: {  	[hbm4b:s17+s2] =	stream.linear.scatter [tilespmem:s8], [sflag:$0x8], $0x6800, $0x38;
	[tilespmem:$0x1D400] =	vst v63  }
0x121: {  	_ =	swait.ge [sflag:s4], $0x6800  }
0x122: {  	[sflag:s4] =	ssyncset.done $0x0  }
0x123: {  	[sflag:s4] =	ssyncadd.s32 $0xFFFF9800  }
0x124: {  	_ =	swait.ge [sflag:s5], $0x6800  }
0x125: {  	[sflag:s5] =	ssyncset.done $0x0  }
0x126: {  	p1 =	sne.s32 s1, $0x1;
	[sflag:s5] =	ssyncadd.s32 $0xFFFF9800  }
.Ltmp2:
0x127: {  	_ =	swait.ge [sflag:s6], $0x6800;
	(pc) =	sbr.rel @p1 .LBB2_4-.Ltmp2, $4  }
0x128: {  	[sflag:s6] =	ssyncset.done $0x0  }
0x129: {  	[sflag:s6] =	ssyncadd.s32 $0xFFFF9800  }
0x12a: {  	_ =	swait.ge [sflag:s7], $0x6800  }
0x12b: {  	s1 =	sadd.s32 $0xFFFFFFFF, s1;
	s0 =	rddreg [dreg:$0x3];
	[sflag:s7] =	ssyncset.done $0x0  }
0x12c: {  	s18 =	simm.s32 $0xD00;
	s30 =	simm.s32 $0x1040;
	s29 =	simm.s32 $0x1380  }
0x12d: {  	s28 =	simm.s32 $0x16C0;
	s26 =	simm.s32 $0x1A00;
	s25 =	simm.s32 $0x1D40  }
0x12e: {  	s24 =	simm.s32 $0x2080;
	s23 =	simm.s32 $0x23C0;
	s22 =	simm.s32 $0x2700  }
0x12f: {  	s20 =	simm.s32 $0x2A40;
	s19 =	simm.s32 $0x2D80;
	s17 =	stileid.u32  }
.LBB2_6:
0x130: {  	[sflag:s7] =	ssyncadd.s32 @p0 $0xFFFF9800  }
0x131: {  	[tilespmem:s2], [sflag:$0x9] =	stream.linear.gather [hbm4b:s0+s2], $0x3400, $0x38;
	[tilespmem:$0x1D400] =	vst v63  }
0x132: {  	_ =	swait.ge [sflag:s31], $0x3400  }
0x133: {  	[sflag:s31] =	ssyncset.done $0x0  }
0x134: {  	[sflag:s31] =	ssyncadd.s32 $0xFFFFCC00  }
0x135: {  	[tilespmem:s11], [sflag:$0x1] =	stream.indirect.gather [hbm4b:s3+s13], $0x20, s2, s13, $0xb8;
	[tilespmem:$0x1D400] =	vst v63  }
0x136: {  	_ = 	snop  }
0x137: {  	[tilespmem:s10], [sflag:$0x2] =	stream.indirect.gather [hbm4b:s3+s13], $0x20, s13, s13, $0xb8;
	[tilespmem:$0x1D400] =	vst v63  }
0x138: {  	s31 =	rddreg [dreg:$0x13]  }
0x139: {  	[tilespmem:s9], [sflag:$0x3] =	stream.indirect.gather [hbm4b:s3+s13], $0x20, s31, s13, $0xb8;
	[tilespmem:$0x1D400] =	vst v63  }
0x13a: {  	s1 =	rddreg [dreg:$0x14]  }
0x13b: {  	[tilespmem:s8], [sflag:$0x4] =	stream.indirect.gather [hbm4b:s3+s13], $0x20, s1, s13, $0xb8;
	[tilespmem:$0x1D400] =	vst v63  }
0x13c: {  	_ =	swait.ge [sflag:s16], $0x6800  }
0x13d: {  	[sflag:s16] =	ssyncset.done $0x0  }
0x13e: {  	[sflag:s16] =	ssyncadd.s32 $0xFFFF9800  }
0x13f: {  	[hbm4b:s21+s2] =	stream.linear.scatter [tilespmem:s11], [sflag:$0x5], $0x6800, $0x38;
	[tilespmem:$0x1D400] =	vst v63  }
0x140: {  	_ =	swait.ge [sflag:s4], $0x6800  }
0x141: {  	[sflag:s4] =	ssyncset.done $0x0  }
0x142: {  	[sflag:s4] =	ssyncadd.s32 $0xFFFF9800  }
0x143: {  	[tilespmem:s11], [sflag:$0x1] =	stream.indirect.gather [hbm4b:s3+s13], $0x20, s18, s13, $0xb8;
	[tilespmem:$0x1D400] =	vst v63  }
0x144: {  	_ =	swait.ge [sflag:s15], $0x6800  }
0x145: {  	[sflag:s15] =	ssyncset.done $0x0  }
0x146: {  	s18 =	rddreg [dreg:$0x4];
	[sflag:s15] =	ssyncadd.s32 $0xFFFF9800  }
0x147: {  	[hbm4b:s18+s2] =	stream.linear.scatter [tilespmem:s10], [sflag:$0x6], $0x6800, $0x38;
	[tilespmem:$0x1D400] =	vst v63  }
0x148: {  	_ =	swait.ge [sflag:s5], $0x6800  }
0x149: {  	[sflag:s5] =	ssyncset.done $0x0  }
0x14a: {  	[sflag:s5] =	ssyncadd.s32 $0xFFFF9800  }
0x14b: {  	[tilespmem:s10], [sflag:$0x2] =	stream.indirect.gather [hbm4b:s3+s13], $0x20, s30, s13, $0xb8;
	[tilespmem:$0x1D400] =	vst v63  }
0x14c: {  	_ =	swait.ge [sflag:s14], $0x6800  }
0x14d: {  	[sflag:s14] =	ssyncset.done $0x0  }
0x14e: {  	s21 =	rddreg [dreg:$0x5];
	[sflag:s14] =	ssyncadd.s32 $0xFFFF9800  }
0x14f: {  	[hbm4b:s21+s2] =	stream.linear.scatter [tilespmem:s9], [sflag:$0x7], $0x6800, $0x38;
	[tilespmem:$0x1D400] =	vst v63  }
0x150: {  	_ =	swait.ge [sflag:s6], $0x6800  }
0x151: {  	[sflag:s6] =	ssyncset.done $0x0  }
0x152: {  	[sflag:s6] =	ssyncadd.s32 $0xFFFF9800  }
0x153: {  	[tilespmem:s9], [sflag:$0x3] =	stream.indirect.gather [hbm4b:s3+s13], $0x20, s29, s13, $0xb8;
	[tilespmem:$0x1D400] =	vst v63  }
0x154: {  	_ =	swait.ge [sflag:s12], $0x6800  }
0x155: {  	[sflag:s12] =	ssyncset.done $0x0  }
0x156: {  	s29 =	rddreg [dreg:$0x6];
	[sflag:s12] =	ssyncadd.s32 $0xFFFF9800  }
0x157: {  	[hbm4b:s29+s2] =	stream.linear.scatter [tilespmem:s8], [sflag:$0x8], $0x6800, $0x38;
	[tilespmem:$0x1D400] =	vst v63  }
0x158: {  	_ =	swait.ge [sflag:s7], $0x6800  }
0x159: {  	[sflag:s7] =	ssyncset.done $0x0  }
0x15a: {  	[sflag:s7] =	ssyncadd.s32 $0xFFFF9800  }
0x15b: {  	[tilespmem:s8], [sflag:$0x4] =	stream.indirect.gather [hbm4b:s3+s13], $0x20, s28, s13, $0xb8;
	[tilespmem:$0x1D400] =	vst v63  }
0x15c: {  	_ =	swait.ge [sflag:s16], $0x6800  }
0x15d: {  	[sflag:s16] =	ssyncset.done $0x0  }
0x15e: {  	s30 =	rddreg [dreg:$0x7];
	[sflag:s16] =	ssyncadd.s32 $0xFFFF9800  }
0x15f: {  	[hbm4b:s30+s2] =	stream.linear.scatter [tilespmem:s11], [sflag:$0x5], $0x6800, $0x38;
	[tilespmem:$0x1D400] =	vst v63  }
0x160: {  	_ =	swait.ge [sflag:s4], $0x6800  }
0x161: {  	[sflag:s4] =	ssyncset.done $0x0  }
0x162: {  	[sflag:s4] =	ssyncadd.s32 $0xFFFF9800  }
0x163: {  	[tilespmem:s11], [sflag:$0x1] =	stream.indirect.gather [hbm4b:s3+s13], $0x20, s26, s13, $0xb8;
	[tilespmem:$0x1D400] =	vst v63  }
0x164: {  	_ =	swait.ge [sflag:s15], $0x6800  }
0x165: {  	[sflag:s15] =	ssyncset.done $0x0  }
0x166: {  	s31 =	rddreg [dreg:$0x8];
	[sflag:s15] =	ssyncadd.s32 $0xFFFF9800  }
0x167: {  	[hbm4b:s31+s2] =	stream.linear.scatter [tilespmem:s10], [sflag:$0x6], $0x6800, $0x38;
	[tilespmem:$0x1D400] =	vst v63  }
0x168: {  	_ =	swait.ge [sflag:s5], $0x6800  }
0x169: {  	[sflag:s5] =	ssyncset.done $0x0  }
0x16a: {  	[sflag:s5] =	ssyncadd.s32 $0xFFFF9800  }
0x16b: {  	[tilespmem:s10], [sflag:$0x2] =	stream.indirect.gather [hbm4b:s3+s13], $0x20, s25, s13, $0xb8;
	[tilespmem:$0x1D400] =	vst v63  }
0x16c: {  	_ =	swait.ge [sflag:s14], $0x6800  }
0x16d: {  	[sflag:s14] =	ssyncset.done $0x0  }
0x16e: {  	s1 =	rddreg [dreg:$0x9];
	[sflag:s14] =	ssyncadd.s32 $0xFFFF9800  }
0x16f: {  	[hbm4b:s1+s2] =	stream.linear.scatter [tilespmem:s9], [sflag:$0x7], $0x6800, $0x38;
	[tilespmem:$0x1D400] =	vst v63  }
0x170: {  	_ =	swait.ge [sflag:s6], $0x6800  }
0x171: {  	[sflag:s6] =	ssyncset.done $0x0  }
0x172: {  	[sflag:s6] =	ssyncadd.s32 $0xFFFF9800  }
0x173: {  	[tilespmem:s9], [sflag:$0x3] =	stream.indirect.gather [hbm4b:s3+s13], $0x20, s24, s13, $0xb8;
	[tilespmem:$0x1D400] =	vst v63  }
0x174: {  	_ =	swait.ge [sflag:s12], $0x6800  }
0x175: {  	[sflag:s12] =	ssyncset.done $0x0  }
0x176: {  	s18 =	rddreg [dreg:$0xa];
	[sflag:s12] =	ssyncadd.s32 $0xFFFF9800  }
0x177: {  	[hbm4b:s18+s2] =	stream.linear.scatter [tilespmem:s8], [sflag:$0x8], $0x6800, $0x38;
	[tilespmem:$0x1D400] =	vst v63  }
0x178: {  	_ =	swait.ge [sflag:s7], $0x6800  }
0x179: {  	[sflag:s7] =	ssyncset.done $0x0  }
0x17a: {  	[sflag:s7] =	ssyncadd.s32 $0xFFFF9800  }
0x17b: {  	[tilespmem:s8], [sflag:$0x4] =	stream.indirect.gather [hbm4b:s3+s13], $0x20, s23, s13, $0xb8;
	[tilespmem:$0x1D400] =	vst v63  }
0x17c: {  	_ =	swait.ge [sflag:s16], $0x6800  }
0x17d: {  	[sflag:s16] =	ssyncset.done $0x0  }
0x17e: {  	s21 =	rddreg [dreg:$0xb];
	[sflag:s16] =	ssyncadd.s32 $0xFFFF9800  }
0x17f: {  	[hbm4b:s21+s2] =	stream.linear.scatter [tilespmem:s11], [sflag:$0x5], $0x6800, $0x38;
	[tilespmem:$0x1D400] =	vst v63  }
0x180: {  	_ =	swait.ge [sflag:s4], $0x6800  }
0x181: {  	[sflag:s4] =	ssyncset.done $0x0  }
0x182: {  	[sflag:s4] =	ssyncadd.s32 $0xFFFF9800  }
0x183: {  	[tilespmem:s11], [sflag:$0x1] =	stream.indirect.gather [hbm4b:s3+s13], $0x20, s22, s13, $0xb8;
	[tilespmem:$0x1D400] =	vst v63  }
0x184: {  	_ =	swait.ge [sflag:s15], $0x6800  }
0x185: {  	[sflag:s15] =	ssyncset.done $0x0  }
0x186: {  	s23 =	rddreg [dreg:$0xc];
	[sflag:s15] =	ssyncadd.s32 $0xFFFF9800  }
0x187: {  	[hbm4b:s23+s2] =	stream.linear.scatter [tilespmem:s10], [sflag:$0x6], $0x6800, $0x38;
	[tilespmem:$0x1D400] =	vst v63  }
0x188: {  	_ =	swait.ge [sflag:s5], $0x6800  }
0x189: {  	[sflag:s5] =	ssyncset.done $0x0  }
0x18a: {  	[sflag:s5] =	ssyncadd.s32 $0xFFFF9800  }
0x18b: {  	[tilespmem:s10], [sflag:$0x2] =	stream.indirect.gather [hbm4b:s3+s13], $0x20, s20, s13, $0xb8;
	[tilespmem:$0x1D400] =	vst v63  }
0x18c: {  	_ =	swait.ge [sflag:s14], $0x6800  }
0x18d: {  	[sflag:s14] =	ssyncset.done $0x0  }
0x18e: {  	s24 =	rddreg [dreg:$0xd];
	[sflag:s14] =	ssyncadd.s32 $0xFFFF9800  }
0x18f: {  	[hbm4b:s24+s2] =	stream.linear.scatter [tilespmem:s9], [sflag:$0x7], $0x6800, $0x38;
	[tilespmem:$0x1D400] =	vst v63  }
0x190: {  	_ =	swait.ge [sflag:s6], $0x6800  }
0x191: {  	[sflag:s6] =	ssyncset.done $0x0  }
0x192: {  	[sflag:s6] =	ssyncadd.s32 $0xFFFF9800  }
0x193: {  	[tilespmem:s9], [sflag:$0x3] =	stream.indirect.gather [hbm4b:s3+s13], $0x20, s19, s13, $0xb8;
	[tilespmem:$0x1D400] =	vst v63  }
0x194: {  	_ =	swait.ge [sflag:s12], $0x6800  }
0x195: {  	[sflag:s12] =	ssyncset.done $0x0  }
0x196: {  	s25 =	rddreg [dreg:$0xe];
	[sflag:s12] =	ssyncadd.s32 $0xFFFF9800  }
0x197: {  	[hbm4b:s25+s2] =	stream.linear.scatter [tilespmem:s8], [sflag:$0x8], $0x6800, $0x38;
	[tilespmem:$0x1D400] =	vst v63  }
0x198: {  	_ =	swait.ge [sflag:s7], $0x6800  }
0x199: {  	[sflag:s7] =	ssyncset.done $0x0  }
0x19a: {  	s26 =	simm.s32 $0x30C0;
	[sflag:s7] =	ssyncadd.s32 $0xFFFF9800  }
0x19b: {  	[tilespmem:s8], [sflag:$0x4] =	stream.indirect.gather [hbm4b:s3+s13], $0x20, s26, s13, $0xb8;
	[tilespmem:$0x1D400] =	vst v63  }
0x19c: {  	_ =	swait.ge [sflag:s16], $0x6800  }
0x19d: {  	[sflag:s16] =	ssyncset.done $0x0  }
0x19e: {  	s28 =	rddreg [dreg:$0xf];
	[sflag:s16] =	ssyncadd.s32 $0xFFFF9800  }
0x19f: {  	[hbm4b:s28+s2] =	stream.linear.scatter [tilespmem:s11], [sflag:$0x5], $0x6800, $0x38;
	[tilespmem:$0x1D400] =	vst v63  }
0x1a0: {  	_ =	swait.ge [sflag:s15], $0x6800  }
0x1a1: {  	[sflag:s15] =	ssyncset.done $0x0  }
0x1a2: {  	s29 =	rddreg [dreg:$0x10];
	[sflag:s15] =	ssyncadd.s32 $0xFFFF9800  }
0x1a3: {  	[hbm4b:s29+s2] =	stream.linear.scatter [tilespmem:s10], [sflag:$0x6], $0x6800, $0x38;
	[tilespmem:$0x1D400] =	vst v63  }
0x1a4: {  	_ =	swait.ge [sflag:s14], $0x6800  }
0x1a5: {  	[sflag:s14] =	ssyncset.done $0x0  }
0x1a6: {  	s30 =	rddreg [dreg:$0x11];
	[sflag:s14] =	ssyncadd.s32 $0xFFFF9800  }
0x1a7: {  	[hbm4b:s30+s2] =	stream.linear.scatter [tilespmem:s9], [sflag:$0x7], $0x6800, $0x38;
	[tilespmem:$0x1D400] =	vst v63  }
0x1a8: {  	_ =	swait.ge [sflag:s12], $0x6800  }
0x1a9: {  	[sflag:s12] =	ssyncset.done $0x0  }
0x1aa: {  	s31 =	rddreg [dreg:$0x12];
	[sflag:s12] =	ssyncadd.s32 $0xFFFF9800  }
0x1ab: {  	[hbm4b:s31+s2] =	stream.linear.scatter [tilespmem:s8], [sflag:$0x8], $0x6800, $0x38;
	[tilespmem:$0x1D400] =	vst v63  }
0x1ac: {  	_ =	swait.ge [sflag:s4], $0x6800  }
0x1ad: {  	[sflag:s4] =	ssyncset.done $0x0  }
0x1ae: {  	[sflag:s4] =	ssyncadd.s32 $0xFFFF9800  }
0x1af: {  	_ =	swait.ge [sflag:s5], $0x6800  }
0x1b0: {  	[sflag:s5] =	ssyncset.done $0x0  }
0x1b1: {  	[sflag:s5] =	ssyncadd.s32 $0xFFFF9800  }
0x1b2: {  	_ =	swait.ge [sflag:s6], $0x6800  }
0x1b3: {  	[sflag:s6] =	ssyncset.done $0x0  }
0x1b4: {  	[sflag:s6] =	ssyncadd.s32 $0xFFFF9800  }
0x1b5: {  	_ =	swait.ge [sflag:s7], $0x6800  }
0x1b6: {  	[sflag:s7] =	ssyncset.done $0x0  }
0x1b7: {  	[sflag:s7] =	ssyncadd.s32 $0xFFFF9800  }
0x1b8: {  	_ =	sfence.sel $0x180000  }
0x1b9: {  	[bflag:$0x0] =	sbarrier.arrive $0xFFFF  }
0x1ba: {  	_ =	strace $0x90000047  }
0x1bb: {  	[bflag:$0x2] =	sbarrier.arrive $0xFFFF  }
0x1bc: {  	p0 =	sne.s32 s17, $0x0;
	s0 =	rddreg [dreg:$0x2]  }
0x1bd: {  	s0 =	sadd.s32 @!p0 $0x100000, s0  }
0x1be: {  	[sflag:s0] =	ssyncadd.tile.s32 @!p0 $0x1;
	_ =	shalt  }
.LBB2_1:
.Ltmp3:
0x1bf: {  	(pc) =	sbr.rel .LBB2_6-.Ltmp3, $4  }
0x1c0: {  	s18 =	simm.s32 $0xD00;
	s30 =	simm.s32 $0x1040  }
0x1c1: {  	s29 =	simm.s32 $0x1380;
	s28 =	simm.s32 $0x16C0;
	s26 =	simm.s32 $0x1A00  }
0x1c2: {  	s25 =	simm.s32 $0x1D40;
	s24 =	simm.s32 $0x2080;
	s23 =	simm.s32 $0x23C0  }
0x1c3: {  	s22 =	simm.s32 $0x2700;
	s20 =	simm.s32 $0x2A40;
	s19 =	simm.s32 $0x2D80  }
.LBB2_3:
.Ltmp4:
0x1c4: {  	(pc) =	sbr.rel .LBB2_6-.Ltmp4, $4  }
0x1c5: {  	s18 =	simm.s32 $0xD00;
	s30 =	simm.s32 $0x1040;
	s29 =	simm.s32 $0x1380  }
0x1c6: {  	s28 =	simm.s32 $0x16C0;
	s26 =	simm.s32 $0x1A00;
	s25 =	simm.s32 $0x1D40  }
0x1c7: {  	s24 =	simm.s32 $0x2080;
	s23 =	simm.s32 $0x23C0;
	s22 =	simm.s32 $0x2700  }
0x1c8: {  	s20 =	simm.s32 $0x2A40;
	s19 =	simm.s32 $0x2D80;
	s17 =	stileid.u32  }
.Lfunc_end2:
_tile_overlayer_lowered:
.L_overlay_start_2:
0x1c9: {  	(tag) =	ssettag $0x2  }
0x1ca: {  	s0 =	rddreg [dreg:$0x0];
	s2 =	stileid.u32  }
0x1cb: {  	s1 =	rddreg [dreg:$0x1];
	p0 =	sne.s32 s2, $0x0  }
0x1cc: {  	s3 =	rddreg [dreg:$0x2];
	[bflag:$0x3] =	sbarrier.arrive $0xFFFF;
	s2 =	simm.s32 @!p0 $0x1C09  }
0x1cd: {  	[timem:s3], [sflag:s2] =	dma.local @!p0 [hbm:s0], s1  }
0x1ce: {  	s0 =	simm.s32 @!p0 $0x9  }
0x1cf: {  	_ =	swait.ge @!p0 [sflag:s0], s1  }
0x1d0: {  	s1 =	ssub.s32 @!p0 $0x0, s1;
	[sflag:s0] =	ssyncset.done @!p0 $0x0  }
0x1d1: {  	[sflag:s0] =	ssyncadd.s32 @!p0 s1  }
0x1d2: {  	[bflag:$0x3] =	sbarrier.arrive $0xFFFF  }
0x1d3: {  	_ =	shalt  }

// kernel: sparse-core-data-format-call.cloned.1.call-start
scs
called_computation_lowered:
.L_overlay_start_0:
0x0: {  	s2 =	sld [smem:$0x3FD9]  }
0x1: {  	s3 =	sld [smem:$0x3FFE];
	_ =	sdelay $0x1  }
0x2: {  	s1 =	srdreg.scid  }
0x3: {  	s0 =	sand.u32 $0x1, s1  }
0x4: {  	s18 =	sshll.u32 s0, $0xA;
	s2 =	sadd.s32 s3, s2  }
0x5: {  	s2 =	sadd.s32 s2, s18  }
0x6: {  	[smem:$0x3FC6] =	sst s2  }
0x7: {  	_ = 	snop  }
0x8: {  	s2 =	sld [smem:$0x3FD0];
	(tm) =	ssettm $0x1  }
0x9: {  	s19 =	sld [smem:$0x3FFB];
	_ =	sdelay $0x3  }
0xa: {  	_ =	strace s19  }
0xb: {  	s3 =	sld [smem:$0x3FFC];
	_ =	sdelay $0x3  }
0xc: {  	_ =	strace s3  }
0xd: {  	s3 =	sld [smem:$0x3FFD];
	_ =	sdelay $0x3  }
0xe: {  	_ =	strace s3  }
0xf: {  	_ =	strace $0x8FFFFFFF  }
0x10: {  	s20 =	sld [smem:$0x3FDB];
	_ =	sdelay $0x1  }
0x11: {  	s4 =	simm.s32 $_scs_section_size  }
0x12: {  	s5 =	simm.s32 $_size__tile_overlayer_lowered;
	s6 =	simm.s32 $_tile_overlayer_lowered  }
0x13: {  	s23 =	simm.s32 $0x1BFF;
	s22 =	sshll.u32 s6, $0x1;
	s3 =	sadd.s32 s4, s20  }
0x14: {  	s7 =	simm.s32 $0x0;
	s21 =	sshll.u32 s5, $0x1;
	s5 =	sadd.s32 s22, s3  }
0x15: {  	[timem:s7], [sflag:s23] =	dma.local [hbm:s5], s21  }
0x16: {  	_ =	swait.ge [sflag:s23], s21  }
0x17: {  	s4 =	ssub.s32 $0x0, s21;
	[sflag:s23] =	ssyncset.done $0x0  }
0x18: {  	[sflag:s23] =	ssyncadd.s32 s4;
	_ =	sdelay $0x1  }
0x19: {  	s24 =	simm.s32 $0x1B8B  }
0x1a: {  	_ =	swait.ge [sflag:s24], $0x1  }
0x1b: {  	[sflag:s24] =	ssyncset.done $0x0  }
0x1c: {  	s26 =	simm.s32 $0x1B8E;
	s25 =	sld [smem:$0x3FFE];
	[sflag:s24] =	ssyncadd.s32 $0xFFFFFFFF  }
0x1d: {  	s27 =	simm.s32 $execute0_lowered;
	[smem:$0x3FD2] =	sst s26  }
0x1e: {  	s5 =	sshll.u32 s27, $0x1;
	_ =	strace $0x80000049;
	[dreg:$0x1] =	wrdreg $0xFFFFFFFF  }
0x1f: {  	s28 =	simm.s32 $_size_execute0_lowered;
	s3 =	sadd.s32 s3, s5;
	[dreg:$0x0] =	wrdreg $0x0  }
0x20: {  	s5 =	sshll.u32 s28, $0x1;
	[dreg:$0x2] =	wrdreg s3  }
0x21: {  	[dreg:$0x3] =	wrdreg s5  }
0x22: {  	[dreg:$0x4] =	wrdreg $0xC0  }
0x23: {  	_ =	task [dreg:s7], $0x5FFFF  }
0x24: {  	[dreg:$0x1] =	wrdreg $0xFFFFFFFF  }
0x25: {  	[dreg:$0x0] =	wrdreg $0x60  }
0x26: {  	[dreg:$0x2] =	wrdreg s25  }
0x27: {  	[dreg:$0x3] =	wrdreg s2  }
0x28: {  	[dreg:$0x4] =	wrdreg $0x9  }
0x29: {  	_ =	task.clear_ibuf [dreg:s7], $0x5FFFF;
	_ =	strace $0x90000049  }
0x2a: {  	s29 =	simm.s32 $0x9;
	_ =	strace $0x8000004B  }
0x2b: {  	_ =	swait.ge [sflag:s29], $0x1  }
0x2c: {  	[sflag:s29] =	ssyncadd.s32 $0xFFFFFFFF  }
0x2d: {  	_ =	strace $0x9000004B  }
0x2e: {  	_ =	sfence  }
0x2f: {  	s30 =	sld [smem:$0x0];
	_ =	sdelay $0x2  }
0x30: {  	s31 =	sshll.u32 s1, $0xD;
	s1 =	sshrl.u32 s1, $0x2  }
0x31: {  	s3 =	sand.u32 $0x4000, s31;
	s1 =	sadd.s32 s1, s30  }
0x32: {  	s0 =	sor.u32 s3, s0;
	s1 =	sshll.u32 s1, $0x11  }
0x33: {  	s0 =	sor.u32 s1, s0  }
0x34: {  	s0 =	sadd.s32 $0x8F2B, s0  }
0x35: {  	[sflag:s0] =	ssyncadd.remote.s32 $0x1  }
0x36: {  	_ =	sfence.sel $0xFFFF  }
0x37: {  	[dreg:$0x0] =	wrdreg $0xFFFFFFFF;
	(pc) =	sbr.abs _section_cstart, $3  }
0x38: {  	[dreg:$0x1] =	wrdreg $0xFFFFFFFF  }
0x39: {  	_ =	task.clear_ibuf [dreg:s7], $0x2FFFF;
	_ =	strace $0x9FFFFFFF  }
0x3a: {  	(tm) =	ssettm $0x7FFFFFFF  }
0x3b: {  	_ =	shalt  }
tec
execute0_lowered:
.L_overlay_start_1:
0x0: {  	(tag) =	ssettag $0x1  }
0x1: {  	s0 =	srdreg.scid  }
0x2: {  	s1 =	sshll.u32 s0, $0x4  }
0x3: {  	s0 =	stileid.u32;
	s1 =	sand.u32 $0x10, s1  }
0x4: {  	s1 =	sor.u32 s0, s1  }
0x5: {  	s6 =	rddreg [dreg:$0x0];
	s4 =	simm.s32 $0x1;
	s2 =	sshll.u32 s1, $0x7  }
0x6: {  	s7 =	simm.s32 $0x2;
	s12 =	simm.s32 $0x0;
	s1 =	ssub.s32 $0x4000, s2  }
0x7: {  	s8 =	simm.s32 $0x20000;
	s13 =	simm.s32 $0x0;
	s3 =	sand.u32 $0xF80, s1  }
0x8: {  	s9 =	simm.s32 $0x0;
	s5 =	sshrl.u32 s1, $0xC;
	p0 =	sne.s32 s3, $0x0  }
.Ltmp0:
0x9: {  	s1 =	rddreg [dreg:$0x2];
	s4 =	simm.s32 @!p0 $0x0;
	(pc) =	sbr.rel .LBB1_1-.Ltmp0, $4  }
0xa: {  	s11 =	simm.s32 $0x0;
	s3 =	rddreg [dreg:$0x1];
	s5 =	sadd.s32 s4, s5  }
0xb: {  	_ =	strace $0x8000004A;
	s4 =	simm.s32 $0x1;
	s5 =	smul.u32 $0x1A, s5  }
0xc: {  	s6 =	sadd.s32 $0xA00, s6;
	s10 =	smov.u32 s2;
	[sflag:s4] =	ssyncpa.u1 $0x0  }
0xd: {  	p0 =	por $0x0, $0x0;
	[sflag:s7] =	ssyncpa.u1 $0x0;
	s7 =	sor.u32 $0x1, s5  }
.LBB1_4:
0xe: {  	s16 =	sshll.u32 s13, $0x3;
	s17 =	sand.u32 $0x78, s13  }
0xf: {  	s30 =	sand.u32 $0xF800, s13;
	s12 =	sshll.u32 s12, $0x10;
	s16 =	sand.u32 $0x3C00, s16  }
0x10: {  	s31 =	sand.u32 $0x7, s13;
	s16 =	sor.u32 s17, s16;
	s17 =	sadd.s32 s3, s30  }
0x11: {  	s13 =	sshll.u32 s31, $0x12;
	s16 =	sshrl.u32 s16, $0x3;
	s12 =	sadd.s32 s12, s17  }
0x12: {  	[tilespmem:s15+$0x0 ss:$0x81] =	vst.msk $0xffff, v0;
	s13 =	sor.u32 $0x400, s13;
	s12 =	sadd.s32 s16, s12  }
0x13: {  	[hbm4b:s12+s13] =	stream.strided.scatter [tilespmem:s14], [sflag:$0x2], $0x1000, s8, s13, $0x20;
	[tilespmem:$0x4040] =	vst v63  }
.LBB1_5:
0x14: {  	s14 =	sadd.s32 $0x1, s9  }
0x15: {  	s12 =	sadd.s32 $0x1000, s10;
	s16 =	smov.u32 s10;
	p2 =	sgt.s32 s14, $0x19  }
0x16: {  	s16 =	smov.u32 @p2 s12  }
0x17: {  	s14 =	simm.s32 @p2 $0x0;
	p2 =	sgt.s32 s16, $0x3FFF  }
0x18: {  	s16 =	smov.u32 @p2 s2;
	p2 =	sne.s32 s11, s7  }
.Ltmp1:
0x19: {  	p1 =	slt.u32 s11, $0x2;
	(pc) =	sbr.rel @!p2 .LBB1_6-.Ltmp1, $4  }
0x1a: {  	s15 =	simm.s32 @!p1 $0x2  }
0x1b: {  	s13 =	smov.u32 s10;
	p0 =	por !p0, !p0;
	_ =	swait.ge @!p1 [sflag:s15], $0x1000  }
0x1c: {  	s12 =	smov.u32 s9;
	[sflag:s15] =	ssyncset.done @!p1 $0x0;
	s9 =	smov.u32 s14  }
0x1d: {  	s11 =	sadd.s32 $0x1, s11;
	[sflag:s15] =	ssyncadd.s32 @!p1 $0xFFFFF000;
	s10 =	smov.u32 s16  }
.LBB1_1:
0x1e: {  	p1 =	sge.u32 s11, s5  }
0x1f: {  	s31 =	sadd.s32 $0xFFFFFFFF, s11;
	s14 =	sxor.u32 @!p1 $0xFFFFFFFF, s11  }
0x20: {  	s15 =	sshll.u32 @!p1 s10, $0x9;
	s16 =	sshll.u32 @!p1 s9, $0x4;
	s17 =	simm.s32 @!p1 $0x1000  }
0x21: {  	s14 =	sshll.u32 @!p1 s14, $0xC;
	s16 =	sand.u32 @!p1 $0x1F0, s16;
	s15 =	sadd.s32 @!p1 s6, s15  }
0x22: {  	s14 =	sand.u32 @!p1 $0x1000, s14;
	s15 =	sadd.s32 @!p1 s16, s15;
	s16 =	simm.s32 @!p1 $0x20  }
0x23: {  	[tilespmem:s14], [sflag:$0x1] =	stream.strided.gather @!p1 [hbm4b:s15+s16], $0x1000, s17, s16, $0x38;
	[tilespmem:$0x4040] =	vst v63  }
0x24: {  	p1 =	sge.u32 s31, s5  }
.Ltmp2:
0x25: {  	_ = 	snop;
	(pc) =	sbr.rel @p1 .LBB1_5-.Ltmp2, $1  }
0x26: {  	_ =	sdelay $0x3  }
0x27: {  	s14 =	simm.s32 $0x1  }
0x28: {  	_ =	swait.ge [sflag:s4], $0x1000;
	s14 =	simm.s32 @!p0 $0x0  }
0x29: {  	[sflag:s4] =	ssyncset.done $0x0;
	s15 =	sshll.u32 s14, $0xC  }
0x2a: {  	[sflag:s4] =	ssyncadd.s32 $0xFFFFF000;
	s18 =	sor.u32 $0x10, s15  }
0x2b: {  	s14 =	smul.u32 $0x4080, s14;
	v1 =	vld [tilespmem:s18+$0x0]  }
0x2c: {  	s30 =	sand.u32 $0x1, s11;
	v0 =	vld [tilespmem:s18+$0xFFFFFFF0]  }
0x2d: {  	s15 =	smul.u32 $0x4080, s30;
	s14 =	sshrl.u32 s14, $0x2  }
0x2e: {  	s16 =	sor.u32 $0x2000, s14  }
0x2f: {  	s31 =	sshrl.u32 s15, $0x2;
	s15 =	sadd.s32 $0x0, s16  }
0x30: {  	s17 =	simm.s32 $0x4;
	s18 =	sadd.s32 $0x20, s18;
	s14 =	sor.u32 $0x2000, s31;
	[tilespmem:s15+$0x810 ss:$0x81] =	vst.msk $0xffff, v1  }
.LBB1_3:
0x31: {  	v1 =	vld [tilespmem:s18+$0x0];
	p1 =	sne.s32 s17, $0x1FC;
	[tilespmem:s15+$0x0 ss:$0x81] =	vst.msk $0xffff, v0;
	s15 =	smov.u32 s17;
	s17 =	sadd.s32 $0x4, s17  }
.Ltmp3:
0x32: {  	v0 =	vld [tilespmem:s18+$0xFFFFFFF0];
	(pc) =	sbr.rel @p1 .LBB1_3-.Ltmp3, $4  }
0x33: {  	_ = 	snop  }
0x34: {  	s15 =	sshra.s32 s15, $0x2  }
0x35: {  	s15 =	sadd.s32 s15, s16  }
0x36: {  	s18 =	sadd.s32 $0x20, s18;
	[tilespmem:s15+$0x810 ss:$0x81] =	vst.msk $0xffff, v1  }
.Ltmp4:
0x37: {  	_ = 	snop;
	(pc) =	sbr.rel .LBB1_4-.Ltmp4, $1  }
0x38: {  	_ =	sdelay $0x3  }
.LBB1_6:
0x39: {  	_ =	sfence.sel $0x180000  }
0x3a: {  	s2 =	simm.s32 $0x1;
	[bflag:$0x0] =	sbarrier.arrive $0xFFFF  }
0x3b: {  	s31 =	simm.s32 $0x2;
	[sflag:s2] =	ssyncpa.u1 $0x1  }
0x3c: {  	[sflag:s31] =	ssyncpa.u1 $0x1  }
0x3d: {  	p0 =	sne.s32 s0, $0x0;
	_ =	strace $0x9000004A  }
0x3e: {  	s0 =	sadd.s32 @!p0 $0x100000, s1;
	[bflag:$0x2] =	sbarrier.arrive $0xFFFF  }
0x3f: {  	[sflag:s0] =	ssyncadd.tile.s32 @!p0 $0x1;
	_ =	shalt  }
.Lfunc_end1:
_tile_overlayer_lowered:
.L_overlay_start_2:
0x40: {  	(tag) =	ssettag $0x2  }
0x41: {  	s0 =	rddreg [dreg:$0x0];
	s2 =	stileid.u32  }
0x42: {  	s1 =	rddreg [dreg:$0x1];
	p0 =	sne.s32 s2, $0x0  }
0x43: {  	s3 =	rddreg [dreg:$0x2];
	[bflag:$0x3] =	sbarrier.arrive $0xFFFF;
	s2 =	simm.s32 @!p0 $0x1C01  }
0x44: {  	[timem:s3], [sflag:s2] =	dma.local @!p0 [hbm:s0], s1  }
0x45: {  	s0 =	simm.s32 @!p0 $0x1  }
0x46: {  	_ =	swait.ge @!p0 [sflag:s0], s1  }
0x47: {  	s1 =	ssub.s32 @!p0 $0x0, s1;
	[sflag:s0] =	ssyncset.done @!p0 $0x0  }
0x48: {  	[sflag:s0] =	ssyncadd.s32 @!p0 s1  }
0x49: {  	[bflag:$0x3] =	sbarrier.arrive $0xFFFF  }
0x4a: {  	_ =	shalt  }

</sc_bundles>
